<compile_context>
chip_gen: v7x
topology: tpu7x:2x2x1
jax: 0.10.2.dev20260603
libtpu: 0.0.44.dev20260713+nightly
codegen_flags: <defaults>
</compile_context>

<pallas_src>
import jax
import jax.numpy as jnp
from jax import lax
from jax.experimental import pallas as pl
from jax.experimental.pallas import tpu as pltpu
from jax.experimental.pallas import tpu_sc as plsc

N = 10000
E = 320000
R = 8
NB_BASES = 4
D = 128

NC = 2
NS = 16

CW = 16
NF = D // CW
FPC = NF // NC
CPS = FPC + 1

GB = 128
RING = 4
EPT = 20480
EPAD = EPT * NS
BPP = EPT // GB
CH = 512
NSUB = EPT // CH

ROWS_SC = 80128
RPT = ROWS_SC // NS
TRASH = R * N

_f32 = jnp.float32
_i32 = jnp.int32


def _sc_body(src_hbm, dst_hbm, typ_hbm, x2_hbm, zacc_hbm,
             acc_out0, acc_out1,
             gl_v, sl2_v, edst_v, etyp_v, rows_v, acc_sh, gsems, ssems):
  c = lax.axis_index("c")
  s = lax.axis_index("s")
  ebase = s * EPT

  pltpu.sync_copy(src_hbm.at[pl.ds(ebase, EPT)], gl_v.at[pl.ds(0, EPT)])
  cbase = c * FPC * N

  def shift0(i, _):
    gl_v[pl.ds(i * 16, 16)] = gl_v[pl.ds(i * 16, 16)] + cbase
    return 0

  lax.fori_loop(0, EPT // 16, shift0, 0)
  zpad = jnp.zeros((16,), _i32)
  for i in range(2 * GB // 16):
    gl_v[pl.ds(EPT + i * 16, 16)] = zpad

  def pre_chunk(q, _):
    pltpu.sync_copy(dst_hbm.at[pl.ds(ebase + q * CH, CH)], edst_v)
    pltpu.sync_copy(typ_hbm.at[pl.ds(ebase + q * CH, CH)], etyp_v)

    def pre_row(b, _):
      row = q * (CH // GB) + b
      for k in range(GB // 16):
        off = b * GB + k * 16
        dv = edst_v[pl.ds(off, 16)]
        tv = etyp_v[pl.ds(off, 16)]
        sl2_v[row, pl.ds(k * 16, 16)] = tv * N + dv
      return 0

    lax.fori_loop(0, CH // GB, pre_row, 0)
    return 0

  lax.fori_loop(0, NSUB, pre_chunk, 0)

  def gather(b, k):
    pltpu.async_copy(x2_hbm.at[gl_v.at[pl.ds(b * GB, GB)]],
                     rows_v.at[k], gsems.at[k])

  def wait_g(k):
    pltpu.make_async_copy(x2_hbm.at[pl.ds(0, GB)],
                          rows_v.at[k], gsems.at[k]).wait()

  def scatter(b, k, src_k):
    pltpu.async_copy(rows_v.at[src_k], acc_sh.at[sl2_v.at[b]], ssems.at[k],
                     add=True)

  def wait_s(k):
    pltpu.make_async_copy(x2_hbm.at[pl.ds(0, GB)],
                          rows_v.at[k], ssems.at[k]).wait()

  def one_pass(p, _):
    @pl.when(jnp.logical_and(p > 0, p < FPC))
    def _():
      def shift(i, _):
        gl_v[pl.ds(i * 16, 16)] = gl_v[pl.ds(i * 16, 16)] + N
        return 0
      lax.fori_loop(0, EPT // 16, shift, 0)

    pltpu.sync_copy(zacc_hbm.at[pl.ds(s * RPT, RPT)],
                    acc_sh.at[pl.ds(s * RPT, RPT)])
    plsc.subcore_barrier()

    @pl.when(p < FPC)
    def _():
      gather(0, 0)
      gather(1, 1)

      def ring_step(t, _):
        for j in range(RING):
          b = RING * t + j
          k = j
          kf = (j + 2) % RING
          wait_g(k)
          scatter(b, k, k)

          @pl.when(b >= 2)
          def _():
            wait_s(kf)

          gather(b + 2, kf)
        return 0

      lax.fori_loop(0, BPP // RING, ring_step, 0)
      wait_g(0)
      wait_g(1)
      wait_s(2)
      wait_s(3)

    @pl.when(p == FPC)
    def _():
      e0 = jnp.where(lax.iota(_i32, 16) == 0, 1.0, 0.0).astype(_f32)

      def fill_row(i, _):
        rows_v[0, i, pl.ds(0, 16)] = e0
        return 0

      lax.fori_loop(0, GB, fill_row, 0)
      b0 = c * (BPP // 2)

      def cnt_step(t, _):
        for j in range(RING):
          scatter(b0 + RING * t + j, j, 0)
        for j in range(RING):
          wait_s(j)
        return 0

      lax.fori_loop(0, BPP // 2 // RING, cnt_step, 0)

    plsc.subcore_barrier()

    @pl.when(c == 0)
    def _():
      pltpu.sync_copy(acc_sh.at[pl.ds(s * RPT, RPT)],
                      acc_out0.at[p, pl.ds(s * RPT, RPT)])

    @pl.when(c == 1)
    def _():
      pltpu.sync_copy(acc_sh.at[pl.ds(s * RPT, RPT)],
                      acc_out1.at[p, pl.ds(s * RPT, RPT)])

    plsc.subcore_barrier()
    return 0

  lax.fori_loop(0, CPS, one_pass, 0)


def _sc_aggregate(srcp, dstp, typp, x2):
  zacc = jnp.zeros((ROWS_SC, CW), _f32)

  mesh = plsc.VectorSubcoreMesh(core_axis_name="c", subcore_axis_name="s")
  fn = pl.kernel(
      _sc_body,
      out_type=(
          jax.ShapeDtypeStruct((CPS, ROWS_SC, CW), _f32),
          jax.ShapeDtypeStruct((CPS, ROWS_SC, CW), _f32),
      ),
      mesh=mesh,
      compiler_params=pltpu.CompilerParams(use_tc_tiling_on_sc=False),
      scratch_types=[
          pltpu.VMEM((EPT + 2 * GB,), _i32),
          pltpu.VMEM((BPP, GB), _i32),
          pltpu.VMEM((CH,), _i32),
          pltpu.VMEM((CH,), _i32),
          pltpu.VMEM((RING, GB, CW), _f32),
          pltpu.VMEM_SHARED((ROWS_SC, CW), _f32),
          pltpu.SemaphoreType.DMA((RING,)),
          pltpu.SemaphoreType.DMA((RING,)),
      ],
  )
  return fn(srcp, dstp, typp, x2, zacc)



NODE_BLK = 2000
NODE_BLKS = N // NODE_BLK


def _tc_body(wc_ref, basis_ref, bias_ref, *refs):
  acc_refs = refs[:NF]
  cnt0_ref = refs[NF]
  cnt1_ref = refs[NF + 1]
  out_ref = refs[NF + 2]
  j = pl.program_id(1)
  w = (wc_ref[j, 0] * basis_ref[0]
       + wc_ref[j, 1] * basis_ref[1]
       + wc_ref[j, 2] * basis_ref[2]
       + wc_ref[j, 3] * basis_ref[3])
  feat = jnp.concatenate([a[0] for a in acc_refs], axis=1)
  deg = cnt0_ref[0][:, 0] + cnt1_ref[0][:, 0]
  inv = 1.0 / jnp.clip(deg, 1.0, None)
  part = jnp.dot(feat * inv[:, None], w, preferred_element_type=_f32)

  @pl.when(j == 0)
  def _():
    out_ref[...] = part

  @pl.when(j > 0)
  def _():
    out_ref[...] = out_ref[...] + part

  @pl.when(j == R - 1)
  def _():
    out_ref[...] = jnp.maximum(out_ref[...] + bias_ref[...], 0.0)


def _tc_apply(w_comp, basis, h_bias, acc0, acc1):
  def mk_idx(f):
    return lambda i, j: (f, j * NODE_BLKS + i, 0)

  chunk_specs = [pl.BlockSpec((1, NODE_BLK, CW), mk_idx(f % FPC))
                 for f in range(NF)]
  chunk_args = [acc0 if f < FPC else acc1 for f in range(NF)]
  cnt_specs = [pl.BlockSpec((1, NODE_BLK, CW), mk_idx(FPC))] * 2
  return pl.pallas_call(
      _tc_body,
      grid=(NODE_BLKS, R),
      in_specs=[
          pl.BlockSpec(memory_space=pltpu.SMEM),
          pl.BlockSpec((NB_BASES, D, D), lambda i, j: (0, 0, 0)),
          pl.BlockSpec((D,), lambda i, j: (0,)),
          *chunk_specs,
          *cnt_specs,
      ],
      out_specs=pl.BlockSpec((NODE_BLK, D), lambda i, j: (i, 0)),
      out_shape=jax.ShapeDtypeStruct((N, D), _f32),
  )(w_comp, basis, h_bias, *chunk_args, acc0, acc1)


def kernel(x, edge_index, edge_type, w_comp, basis, h_bias):
  npad = EPAD - E
  src = jnp.concatenate([edge_index[0], jnp.zeros((npad,), _i32)])
  dst = jnp.concatenate([edge_index[1], jnp.zeros((npad,), _i32)])
  typ = jnp.concatenate([edge_type, jnp.full((npad,), R, _i32)])

  x2 = x.reshape(N, NF, CW).transpose(1, 0, 2).reshape(NF * N, CW)
  acc0, acc1 = _sc_aggregate(src, dst, typ, x2)
  return _tc_apply(w_comp, basis, h_bias, acc0, acc1)

# --- scband reference (transcript-rebuilt; emitter-appended) ---
"""Pipeline reference for scband-rel-graph-conv-layer-1760936591781 (READ-ONLY COPY).

The authoritative reference and input builder live on the scoring server;
editing this copy changes nothing except your own understanding.
"""

import jax, jax.numpy as jnp
import numpy as np

N = 10000      # nodes
E = 320000     # edges
R = 8          # relations (len(rel_names))
B = 4          # num_bases
DIN = 128
DOUT = 128


def setup_inputs(seed: int = 0) -> dict:
    key = jax.random.key(seed)
    ks = jax.random.split(key, 5)
    x = jax.random.normal(ks[0], (N, DIN), dtype=jnp.float32)
    edge_index = jax.random.randint(ks[1], (2, E), 0, N, dtype=jnp.int32)
    edge_type = jax.random.randint(ks[2], (E,), 0, R, dtype=jnp.int32)
    # WeightBasis parameters: basis matrices + per-relation coefficients
    gain = np.sqrt(2.0)  # calculate_gain('relu')
    bb = gain * np.sqrt(6.0 / (DIN + DOUT))
    basis = jax.random.uniform(ks[3], (B, DIN, DOUT), minval=-bb, maxval=bb, dtype=jnp.float32)
    cb = gain * np.sqrt(6.0 / (R + B))
    w_comp = jax.random.uniform(ks[4], (R, B), minval=-cb, maxval=cb, dtype=jnp.float32)
    h_bias = jnp.zeros((DOUT,), dtype=jnp.float32)
    return {"x": x, "edge_index": edge_index, "edge_type": edge_type,
            "w_comp": w_comp, "basis": basis, "h_bias": h_bias}


def reference(x, edge_index, edge_type, w_comp, basis, h_bias):
    # Basis-decomposed relation weights: weight[r] = sum_b w_comp[r,b] * basis[b]
    weight = jnp.einsum('rb,bio->rio', w_comp, basis)          # [R, DIN, DOUT]
    # Pre-transform node features for every relation (GraphConv weight apply)
    xw = jnp.einsum('ni,rio->rno', x, weight)                  # [R, N, DOUT]
    src = edge_index[0]
    dst = edge_index[1]
    # Gather per-edge messages according to edge relation type
    msgs = xw[edge_type, src]                                  # [E, DOUT]
    # Per-relation scatter-add onto destination nodes (HeteroGraphConv per-rel aggregation)
    agg = jnp.zeros((R, N, DOUT), dtype=x.dtype).at[edge_type, dst].add(msgs)
    # norm='right': divide by per-relation in-degree of dst (clamped to >= 1, as in DGL)
    deg = jnp.zeros((R, N), dtype=x.dtype).at[edge_type, dst].add(jnp.ones((E,), dtype=x.dtype))
    h = jnp.sum(agg / jnp.clip(deg, 1.0, None)[..., None], axis=0)  # cross-relation 'sum' aggregate
    # _apply: bias -> activation -> dropout (dropout=0.0 is identity)
    h = h + h_bias
    h = jax.nn.relu(h)
    return h

if __name__ == "__main__":
    import jax
    _d = setup_inputs()
    print(jax.jit(kernel)(*tuple(_d.values())))

</pallas_src>

<mosaic_0001>
#map = affine_map<(d0, d1) -> (0)>
#map1 = affine_map<(d0, d1) -> (0, 0)>
#map2 = affine_map<(d0, d1) -> (0, 0, 0)>
module attributes {stable_mosaic.version = 14 : i64} {
  func.func @_sc_body(%arg0: i32, %arg1: i32, %arg2: memref<327680xi32, #tpu.memory_space<hbm>>, %arg3: memref<327680xi32, #tpu.memory_space<hbm>>, %arg4: memref<327680xi32, #tpu.memory_space<hbm>>, %arg5: memref<80000x16xf32, #tpu.memory_space<hbm>>, %arg6: memref<80128x16xf32, #tpu.memory_space<hbm>>, %arg7: memref<5x80128x16xf32, #tpu.memory_space<hbm>>, %arg8: memref<5x80128x16xf32, #tpu.memory_space<hbm>>, %arg9: memref<20736xi32, #tpu.memory_space<vmem>>, %arg10: memref<160x128xi32, #tpu.memory_space<vmem>>, %arg11: memref<512xi32, #tpu.memory_space<vmem>>, %arg12: memref<512xi32, #tpu.memory_space<vmem>>, %arg13: memref<4x128x16xf32, #tpu.memory_space<vmem>>, %arg14: memref<80128x16xf32, #tpu.memory_space<vmem_shared>>, %arg15: memref<4x!tpu.dma_semaphore, #tpu.memory_space<semaphore_mem>>, %arg16: memref<4x!tpu.dma_semaphore, #tpu.memory_space<semaphore_mem>>) attributes {dimension_semantics = [#tpu.dimension_semantics<core_parallel>, #tpu.dimension_semantics<subcore_parallel>], iteration_bounds = array<i64: 2, 16>, scalar_prefetch = 0 : i64, scratch_operands = 8 : i64, tpu.core_type = #tpu.core_type<sc_vector_subcore>, window_params = [{transform_indices = #map}, {transform_indices = #map}, {transform_indices = #map}, {transform_indices = #map1}, {transform_indices = #map1}, {transform_indices = #map2}, {transform_indices = #map2}]} {
    %mul3A = arith.constant 20480 : i32
    %mul3A_0 = arith.muli %arg1, %mul3A : i32
    "tpu.region"() ({
      %run_scoped3A = tpu.sem_alloc : memref<!tpu.dma_semaphore, #tpu.memory_space<semaphore_mem>>
      %dma_start3A = arith.constant 0 : i32
      %dma_start3A_89 = tpu.memref_slice %arg9[%dma_start3A] : memref<20736xi32, #tpu.memory_space<vmem>> -> memref<20480xi32, #tpu.memory_space<vmem>>
      %dma_start3A_90 = tpu.memref_slice %arg2[%mul3A_0] : memref<327680xi32, #tpu.memory_space<hbm>> -> memref<20480xi32, #tpu.memory_space<hbm>>
      %dma_start3A_91 = arith.constant 0 : i32
      %dma_start3A_92 = tpu.memref_slice %arg9[%dma_start3A_91] : memref<20736xi32, #tpu.memory_space<vmem>> -> memref<20480xi32, #tpu.memory_space<vmem>>
      %dma_start3A_93 = tpu.memref_slice %arg2[%mul3A_0] : memref<327680xi32, #tpu.memory_space<hbm>> -> memref<20480xi32, #tpu.memory_space<hbm>>
      tpu.enqueue_dma source(%dma_start3A_93 : memref<20480xi32, #tpu.memory_space<hbm>>) target(%dma_start3A_92 : memref<20480xi32, #tpu.memory_space<vmem>>) target_semaphore(%run_scoped3A : memref<!tpu.dma_semaphore, #tpu.memory_space<semaphore_mem>>)
      %dma_wait3A = arith.constant 0 : i32
      %dma_wait3A_94 = tpu.memref_slice %arg9[%dma_wait3A] : memref<20736xi32, #tpu.memory_space<vmem>> -> memref<20480xi32, #tpu.memory_space<vmem>>
      %dma_wait3A_95 = tpu.memref_slice %arg2[%mul3A_0] : memref<327680xi32, #tpu.memory_space<hbm>> -> memref<20480xi32, #tpu.memory_space<hbm>>
      %dma_wait3A_96 = arith.constant 0 : i32
      %dma_wait3A_97 = tpu.memref_slice %arg9[%dma_wait3A_96] : memref<20736xi32, #tpu.memory_space<vmem>> -> memref<20480xi32, #tpu.memory_space<vmem>>
      %dma_wait3A_98 = tpu.memref_slice %arg2[%mul3A_0] : memref<327680xi32, #tpu.memory_space<hbm>> -> memref<20480xi32, #tpu.memory_space<hbm>>
      tpu.wait_dma2 semaphore(%run_scoped3A : memref<!tpu.dma_semaphore, #tpu.memory_space<semaphore_mem>>) src(%dma_wait3A_98 : memref<20480xi32, #tpu.memory_space<hbm>>) dst(%dma_wait3A_97 : memref<20480xi32, #tpu.memory_space<vmem>>)
      tpu.yield
    }) : () -> ()
    %mul3A_1 = arith.constant 4 : i32
    %mul3A_2 = arith.muli %arg0, %mul3A_1 : i32
    %mul3A_3 = arith.constant 10000 : i32
    %mul3A_4 = arith.muli %mul3A_2, %mul3A_3 : i32
    %scan3A = arith.constant 0 : i32
    %scan3A_5 = arith.constant 0 : i32
    %scan3A_6 = arith.constant 1280 : i32
    %scan3A_7 = arith.addi %scan3A_5, %scan3A_6 : i32
    %scan3A_8 = arith.constant 1 : i32
    %scan3A_9 = scf.for %scan3A_89 = %scan3A_5 to %scan3A_7 step %scan3A_8 iter_args(%scan3A_90 = %scan3A) -> (i32)  : i32 {
      %mul3A_91 = arith.constant 16 : i32
      %mul3A_92 = arith.muli %scan3A_89, %mul3A_91 : i32
      %get3A = arith.index_cast %mul3A_92 : i32 to index
      %get3A_93 = tpu.vector_load %arg9[%get3A] {strides = array<i32>} : memref<20736xi32, #tpu.memory_space<vmem>>, vector<16xi32>,
      %get3A_94 = vector.shape_cast %get3A_93 : vector<16xi32> to vector<16xi32>
      %add3A = vector.broadcast %mul3A_4 : i32 to vector<16xi32>
      %add3A_95 = arith.addi %get3A_94, %add3A : vector<16xi32>
      %mul3A_96 = arith.constant 16 : i32
      %mul3A_97 = arith.muli %scan3A_89, %mul3A_96 : i32
      %swap3A_98 = arith.index_cast %mul3A_97 : i32 to index
      %swap3A_99 = tpu.vector_load %arg9[%swap3A_98] {strides = array<i32>} : memref<20736xi32, #tpu.memory_space<vmem>>, vector<16xi32>,
      %swap3A_100 = vector.shape_cast %swap3A_99 : vector<16xi32> to vector<16xi32>
      %swap3A_101 = vector.shape_cast %add3A_95 : vector<16xi32> to vector<16xi32>
      tpu.vector_store %arg9[%swap3A_98], %swap3A_101 {strides = array<i32>} : memref<20736xi32, #tpu.memory_space<vmem>>, vector<16xi32>,
      %scan3A_102 = arith.constant 0 : i32
      scf.yield %scan3A_102 : i32
    }
    %scan3A_10 = arith.constant 1280 : i32
    %broadcast_in_dim3A = arith.constant 0 : i32
    %broadcast_in_dim3A_11 = vector.broadcast %broadcast_in_dim3A : i32 to vector<16xi32>
    %swap3A = arith.constant 20480 : index
    %swap3A_12 = tpu.vector_load %arg9[%swap3A] {strides = array<i32>} : memref<20736xi32, #tpu.memory_space<vmem>>, vector<16xi32>,
    %swap3A_13 = vector.shape_cast %swap3A_12 : vector<16xi32> to vector<16xi32>
    %swap3A_14 = vector.shape_cast %broadcast_in_dim3A_11 : vector<16xi32> to vector<16xi32>
    tpu.vector_store %arg9[%swap3A], %swap3A_14 {strides = array<i32>} : memref<20736xi32, #tpu.memory_space<vmem>>, vector<16xi32>,
    %swap3A_15 = arith.constant 20496 : index
    %swap3A_16 = tpu.vector_load %arg9[%swap3A_15] {strides = array<i32>} : memref<20736xi32, #tpu.memory_space<vmem>>, vector<16xi32>,
    %swap3A_17 = vector.shape_cast %swap3A_16 : vector<16xi32> to vector<16xi32>
    %swap3A_18 = vector.shape_cast %broadcast_in_dim3A_11 : vector<16xi32> to vector<16xi32>
    tpu.vector_store %arg9[%swap3A_15], %swap3A_18 {strides = array<i32>} : memref<20736xi32, #tpu.memory_space<vmem>>, vector<16xi32>,
    %swap3A_19 = arith.constant 20512 : index
    %swap3A_20 = tpu.vector_load %arg9[%swap3A_19] {strides = array<i32>} : memref<20736xi32, #tpu.memory_space<vmem>>, vector<16xi32>,
    %swap3A_21 = vector.shape_cast %swap3A_20 : vector<16xi32> to vector<16xi32>
    %swap3A_22 = vector.shape_cast %broadcast_in_dim3A_11 : vector<16xi32> to vector<16xi32>
    tpu.vector_store %arg9[%swap3A_19], %swap3A_22 {strides = array<i32>} : memref<20736xi32, #tpu.memory_space<vmem>>, vector<16xi32>,
    %swap3A_23 = arith.constant 20528 : index
    %swap3A_24 = tpu.vector_load %arg9[%swap3A_23] {strides = array<i32>} : memref<20736xi32, #tpu.memory_space<vmem>>, vector<16xi32>,
    %swap3A_25 = vector.shape_cast %swap3A_24 : vector<16xi32> to vector<16xi32>
    %swap3A_26 = vector.shape_cast %broadcast_in_dim3A_11 : vector<16xi32> to vector<16xi32>
    tpu.vector_store %arg9[%swap3A_23], %swap3A_26 {strides = array<i32>} : memref<20736xi32, #tpu.memory_space<vmem>>, vector<16xi32>,
    %swap3A_27 = arith.constant 20544 : index
    %swap3A_28 = tpu.vector_load %arg9[%swap3A_27] {strides = array<i32>} : memref<20736xi32, #tpu.memory_space<vmem>>, vector<16xi32>,
    %swap3A_29 = vector.shape_cast %swap3A_28 : vector<16xi32> to vector<16xi32>
    %swap3A_30 = vector.shape_cast %broadcast_in_dim3A_11 : vector<16xi32> to vector<16xi32>
    tpu.vector_store %arg9[%swap3A_27], %swap3A_30 {strides = array<i32>} : memref<20736xi32, #tpu.memory_space<vmem>>, vector<16xi32>,
    %swap3A_31 = arith.constant 20560 : index
    %swap3A_32 = tpu.vector_load %arg9[%swap3A_31] {strides = array<i32>} : memref<20736xi32, #tpu.memory_space<vmem>>, vector<16xi32>,
    %swap3A_33 = vector.shape_cast %swap3A_32 : vector<16xi32> to vector<16xi32>
    %swap3A_34 = vector.shape_cast %broadcast_in_dim3A_11 : vector<16xi32> to vector<16xi32>
    tpu.vector_store %arg9[%swap3A_31], %swap3A_34 {strides = array<i32>} : memref<20736xi32, #tpu.memory_space<vmem>>, vector<16xi32>,
    %swap3A_35 = arith.constant 20576 : index
    %swap3A_36 = tpu.vector_load %arg9[%swap3A_35] {strides = array<i32>} : memref<20736xi32, #tpu.memory_space<vmem>>, vector<16xi32>,
    %swap3A_37 = vector.shape_cast %swap3A_36 : vector<16xi32> to vector<16xi32>
    %swap3A_38 = vector.shape_cast %broadcast_in_dim3A_11 : vector<16xi32> to vector<16xi32>
    tpu.vector_store %arg9[%swap3A_35], %swap3A_38 {strides = array<i32>} : memref<20736xi32, #tpu.memory_space<vmem>>, vector<16xi32>,
    %swap3A_39 = arith.constant 20592 : index
    %swap3A_40 = tpu.vector_load %arg9[%swap3A_39] {strides = array<i32>} : memref<20736xi32, #tpu.memory_space<vmem>>, vector<16xi32>,
    %swap3A_41 = vector.shape_cast %swap3A_40 : vector<16xi32> to vector<16xi32>
    %swap3A_42 = vector.shape_cast %broadcast_in_dim3A_11 : vector<16xi32> to vector<16xi32>
    tpu.vector_store %arg9[%swap3A_39], %swap3A_42 {strides = array<i32>} : memref<20736xi32, #tpu.memory_space<vmem>>, vector<16xi32>,
    %swap3A_43 = arith.constant 20608 : index
    %swap3A_44 = tpu.vector_load %arg9[%swap3A_43] {strides = array<i32>} : memref<20736xi32, #tpu.memory_space<vmem>>, vector<16xi32>,
    %swap3A_45 = vector.shape_cast %swap3A_44 : vector<16xi32> to vector<16xi32>
    %swap3A_46 = vector.shape_cast %broadcast_in_dim3A_11 : vector<16xi32> to vector<16xi32>
    tpu.vector_store %arg9[%swap3A_43], %swap3A_46 {strides = array<i32>} : memref<20736xi32, #tpu.memory_space<vmem>>, vector<16xi32>,
    %swap3A_47 = arith.constant 20624 : index
    %swap3A_48 = tpu.vector_load %arg9[%swap3A_47] {strides = array<i32>} : memref<20736xi32, #tpu.memory_space<vmem>>, vector<16xi32>,
    %swap3A_49 = vector.shape_cast %swap3A_48 : vector<16xi32> to vector<16xi32>
    %swap3A_50 = vector.shape_cast %broadcast_in_dim3A_11 : vector<16xi32> to vector<16xi32>
    tpu.vector_store %arg9[%swap3A_47], %swap3A_50 {strides = array<i32>} : memref<20736xi32, #tpu.memory_space<vmem>>, vector<16xi32>,
    %swap3A_51 = arith.constant 20640 : index
    %swap3A_52 = tpu.vector_load %arg9[%swap3A_51] {strides = array<i32>} : memref<20736xi32, #tpu.memory_space<vmem>>, vector<16xi32>,
    %swap3A_53 = vector.shape_cast %swap3A_52 : vector<16xi32> to vector<16xi32>
    %swap3A_54 = vector.shape_cast %broadcast_in_dim3A_11 : vector<16xi32> to vector<16xi32>
    tpu.vector_store %arg9[%swap3A_51], %swap3A_54 {strides = array<i32>} : memref<20736xi32, #tpu.memory_space<vmem>>, vector<16xi32>,
    %swap3A_55 = arith.constant 20656 : index
    %swap3A_56 = tpu.vector_load %arg9[%swap3A_55] {strides = array<i32>} : memref<20736xi32, #tpu.memory_space<vmem>>, vector<16xi32>,
    %swap3A_57 = vector.shape_cast %swap3A_56 : vector<16xi32> to vector<16xi32>
    %swap3A_58 = vector.shape_cast %broadcast_in_dim3A_11 : vector<16xi32> to vector<16xi32>
    tpu.vector_store %arg9[%swap3A_55], %swap3A_58 {strides = array<i32>} : memref<20736xi32, #tpu.memory_space<vmem>>, vector<16xi32>,
    %swap3A_59 = arith.constant 20672 : index
    %swap3A_60 = tpu.vector_load %arg9[%swap3A_59] {strides = array<i32>} : memref<20736xi32, #tpu.memory_space<vmem>>, vector<16xi32>,
    %swap3A_61 = vector.shape_cast %swap3A_60 : vector<16xi32> to vector<16xi32>
    %swap3A_62 = vector.shape_cast %broadcast_in_dim3A_11 : vector<16xi32> to vector<16xi32>
    tpu.vector_store %arg9[%swap3A_59], %swap3A_62 {strides = array<i32>} : memref<20736xi32, #tpu.memory_space<vmem>>, vector<16xi32>,
    %swap3A_63 = arith.constant 20688 : index
    %swap3A_64 = tpu.vector_load %arg9[%swap3A_63] {strides = array<i32>} : memref<20736xi32, #tpu.memory_space<vmem>>, vector<16xi32>,
    %swap3A_65 = vector.shape_cast %swap3A_64 : vector<16xi32> to vector<16xi32>
    %swap3A_66 = vector.shape_cast %broadcast_in_dim3A_11 : vector<16xi32> to vector<16xi32>
    tpu.vector_store %arg9[%swap3A_63], %swap3A_66 {strides = array<i32>} : memref<20736xi32, #tpu.memory_space<vmem>>, vector<16xi32>,
    %swap3A_67 = arith.constant 20704 : index
    %swap3A_68 = tpu.vector_load %arg9[%swap3A_67] {strides = array<i32>} : memref<20736xi32, #tpu.memory_space<vmem>>, vector<16xi32>,
    %swap3A_69 = vector.shape_cast %swap3A_68 : vector<16xi32> to vector<16xi32>
    %swap3A_70 = vector.shape_cast %broadcast_in_dim3A_11 : vector<16xi32> to vector<16xi32>
    tpu.vector_store %arg9[%swap3A_67], %swap3A_70 {strides = array<i32>} : memref<20736xi32, #tpu.memory_space<vmem>>, vector<16xi32>,
    %swap3A_71 = arith.constant 20720 : index
    %swap3A_72 = tpu.vector_load %arg9[%swap3A_71] {strides = array<i32>} : memref<20736xi32, #tpu.memory_space<vmem>>, vector<16xi32>,
    %swap3A_73 = vector.shape_cast %swap3A_72 : vector<16xi32> to vector<16xi32>
    %swap3A_74 = vector.shape_cast %broadcast_in_dim3A_11 : vector<16xi32> to vector<16xi32>
    tpu.vector_store %arg9[%swap3A_71], %swap3A_74 {strides = array<i32>} : memref<20736xi32, #tpu.memory_space<vmem>>, vector<16xi32>,
    %scan3A_75 = arith.constant 0 : i32
    %scan3A_76 = arith.constant 0 : i32
    %scan3A_77 = arith.constant 40 : i32
    %scan3A_78 = arith.addi %scan3A_76, %scan3A_77 : i32
    %scan3A_79 = arith.constant 1 : i32
    %scan3A_80 = scf.for %scan3A_89 = %scan3A_76 to %scan3A_78 step %scan3A_79 iter_args(%scan3A_90 = %scan3A_75) -> (i32)  : i32 {
      %mul3A_91 = arith.constant 512 : i32
      %mul3A_92 = arith.muli %scan3A_89, %mul3A_91 : i32
      %add3A = arith.addi %mul3A_0, %mul3A_92 : i32
      "tpu.region"() ({
        %run_scoped3A = tpu.sem_alloc : memref<!tpu.dma_semaphore, #tpu.memory_space<semaphore_mem>>
        %dma_start3A = tpu.memref_slice %arg3[%add3A] : memref<327680xi32, #tpu.memory_space<hbm>> -> memref<512xi32, #tpu.memory_space<hbm>>
        %dma_start3A_104 = tpu.memref_slice %arg3[%add3A] : memref<327680xi32, #tpu.memory_space<hbm>> -> memref<512xi32, #tpu.memory_space<hbm>>
        tpu.enqueue_dma source(%dma_start3A_104 : memref<512xi32, #tpu.memory_space<hbm>>) target(%arg11 : memref<512xi32, #tpu.memory_space<vmem>>) target_semaphore(%run_scoped3A : memref<!tpu.dma_semaphore, #tpu.memory_space<semaphore_mem>>)
        %dma_wait3A = tpu.memref_slice %arg3[%add3A] : memref<327680xi32, #tpu.memory_space<hbm>> -> memref<512xi32, #tpu.memory_space<hbm>>
        %dma_wait3A_105 = tpu.memref_slice %arg3[%add3A] : memref<327680xi32, #tpu.memory_space<hbm>> -> memref<512xi32, #tpu.memory_space<hbm>>
        tpu.wait_dma2 semaphore(%run_scoped3A : memref<!tpu.dma_semaphore, #tpu.memory_space<semaphore_mem>>) src(%dma_wait3A_105 : memref<512xi32, #tpu.memory_space<hbm>>) dst(%arg11 : memref<512xi32, #tpu.memory_space<vmem>>)
        tpu.yield
      }) : () -> ()
      %mul3A_93 = arith.constant 512 : i32
      %mul3A_94 = arith.muli %scan3A_89, %mul3A_93 : i32
      %add3A_95 = arith.addi %mul3A_0, %mul3A_94 : i32
      "tpu.region"() ({
        %run_scoped3A = tpu.sem_alloc : memref<!tpu.dma_semaphore, #tpu.memory_space<semaphore_mem>>
        %dma_start3A = tpu.memref_slice %arg4[%add3A_95] : memref<327680xi32, #tpu.memory_space<hbm>> -> memref<512xi32, #tpu.memory_space<hbm>>
        %dma_start3A_104 = tpu.memref_slice %arg4[%add3A_95] : memref<327680xi32, #tpu.memory_space<hbm>> -> memref<512xi32, #tpu.memory_space<hbm>>
        tpu.enqueue_dma source(%dma_start3A_104 : memref<512xi32, #tpu.memory_space<hbm>>) target(%arg12 : memref<512xi32, #tpu.memory_space<vmem>>) target_semaphore(%run_scoped3A : memref<!tpu.dma_semaphore, #tpu.memory_space<semaphore_mem>>)
        %dma_wait3A = tpu.memref_slice %arg4[%add3A_95] : memref<327680xi32, #tpu.memory_space<hbm>> -> memref<512xi32, #tpu.memory_space<hbm>>
        %dma_wait3A_105 = tpu.memref_slice %arg4[%add3A_95] : memref<327680xi32, #tpu.memory_space<hbm>> -> memref<512xi32, #tpu.memory_space<hbm>>
        tpu.wait_dma2 semaphore(%run_scoped3A : memref<!tpu.dma_semaphore, #tpu.memory_space<semaphore_mem>>) src(%dma_wait3A_105 : memref<512xi32, #tpu.memory_space<hbm>>) dst(%arg12 : memref<512xi32, #tpu.memory_space<vmem>>)
        tpu.yield
      }) : () -> ()
      %scan3A_96 = arith.constant 0 : i32
      %scan3A_97 = arith.constant 0 : i32
      %scan3A_98 = arith.constant 4 : i32
      %scan3A_99 = arith.addi %scan3A_97, %scan3A_98 : i32
      %scan3A_100 = arith.constant 1 : i32
      %scan3A_101 = scf.for %scan3A_104 = %scan3A_97 to %scan3A_99 step %scan3A_100 iter_args(%scan3A_105 = %scan3A_96) -> (i32)  : i32 {
        %mul3A_106 = arith.constant 4 : i32
        %mul3A_107 = arith.muli %scan3A_89, %mul3A_106 : i32
        %add3A_108 = arith.addi %mul3A_107, %scan3A_104 : i32
        %mul3A_109 = arith.constant 128 : i32
        %mul3A_110 = arith.muli %scan3A_104, %mul3A_109 : i32
        %add3A_111 = arith.constant 0 : i32
        %add3A_112 = arith.addi %mul3A_110, %add3A_111 : i32
        %get3A = arith.index_cast %add3A_112 : i32 to index
        %get3A_113 = tpu.vector_load %arg11[%get3A] {strides = array<i32>} : memref<512xi32, #tpu.memory_space<vmem>>, vector<16xi32>,
        %get3A_114 = vector.shape_cast %get3A_113 : vector<16xi32> to vector<16xi32>
        %get3A_115 = arith.index_cast %add3A_112 : i32 to index
        %get3A_116 = tpu.vector_load %arg12[%get3A_115] {strides = array<i32>} : memref<512xi32, #tpu.memory_space<vmem>>, vector<16xi32>,
        %get3A_117 = vector.shape_cast %get3A_116 : vector<16xi32> to vector<16xi32>
        %mul3A_118 = arith.constant 10000 : i32
        %mul3A_119 = vector.broadcast %mul3A_118 : i32 to vector<16xi32>
        %mul3A_120 = arith.muli %get3A_117, %mul3A_119 : vector<16xi32>
        %add3A_121 = arith.addi %mul3A_120, %get3A_114 : vector<16xi32>
        %swap3A_122 = arith.index_cast %add3A_108 : i32 to index
        %swap3A_123 = arith.constant 0 : index
        %swap3A_124 = tpu.vector_load %arg10[%swap3A_122, %swap3A_123] {strides = array<i32>} : memref<160x128xi32, #tpu.memory_space<vmem>>, vector<1x16xi32>,
        %swap3A_125 = vector.shape_cast %swap3A_124 : vector<1x16xi32> to vector<16xi32>
        %swap3A_126 = vector.shape_cast %add3A_121 : vector<16xi32> to vector<1x16xi32>
        tpu.vector_store %arg10[%swap3A_122, %swap3A_123], %swap3A_126 {strides = array<i32>} : memref<160x128xi32, #tpu.memory_space<vmem>>, vector<1x16xi32>,
        %mul3A_127 = arith.constant 128 : i32
        %mul3A_128 = arith.muli %scan3A_104, %mul3A_127 : i32
        %add3A_129 = arith.constant 16 : i32
        %add3A_130 = arith.addi %mul3A_128, %add3A_129 : i32
        %get3A_131 = arith.index_cast %add3A_130 : i32 to index
        %get3A_132 = tpu.vector_load %arg11[%get3A_131] {strides = array<i32>} : memref<512xi32, #tpu.memory_space<vmem>>, vector<16xi32>,
        %get3A_133 = vector.shape_cast %get3A_132 : vector<16xi32> to vector<16xi32>
        %get3A_134 = arith.index_cast %add3A_130 : i32 to index
        %get3A_135 = tpu.vector_load %arg12[%get3A_134] {strides = array<i32>} : memref<512xi32, #tpu.memory_space<vmem>>, vector<16xi32>,
        %get3A_136 = vector.shape_cast %get3A_135 : vector<16xi32> to vector<16xi32>
        %mul3A_137 = arith.constant 10000 : i32
        %mul3A_138 = vector.broadcast %mul3A_137 : i32 to vector<16xi32>
        %mul3A_139 = arith.muli %get3A_136, %mul3A_138 : vector<16xi32>
        %add3A_140 = arith.addi %mul3A_139, %get3A_133 : vector<16xi32>
        %swap3A_141 = arith.index_cast %add3A_108 : i32 to index
        %swap3A_142 = arith.constant 16 : index
        %swap3A_143 = tpu.vector_load %arg10[%swap3A_141, %swap3A_142] {strides = array<i32>} : memref<160x128xi32, #tpu.memory_space<vmem>>, vector<1x16xi32>,
        %swap3A_144 = vector.shape_cast %swap3A_143 : vector<1x16xi32> to vector<16xi32>
        %swap3A_145 = vector.shape_cast %add3A_140 : vector<16xi32> to vector<1x16xi32>
        tpu.vector_store %arg10[%swap3A_141, %swap3A_142], %swap3A_145 {strides = array<i32>} : memref<160x128xi32, #tpu.memory_space<vmem>>, vector<1x16xi32>,
        %mul3A_146 = arith.constant 128 : i32
        %mul3A_147 = arith.muli %scan3A_104, %mul3A_146 : i32
        %add3A_148 = arith.constant 32 : i32
        %add3A_149 = arith.addi %mul3A_147, %add3A_148 : i32
        %get3A_150 = arith.index_cast %add3A_149 : i32 to index
        %get3A_151 = tpu.vector_load %arg11[%get3A_150] {strides = array<i32>} : memref<512xi32, #tpu.memory_space<vmem>>, vector<16xi32>,
        %get3A_152 = vector.shape_cast %get3A_151 : vector<16xi32> to vector<16xi32>
        %get3A_153 = arith.index_cast %add3A_149 : i32 to index
        %get3A_154 = tpu.vector_load %arg12[%get3A_153] {strides = array<i32>} : memref<512xi32, #tpu.memory_space<vmem>>, vector<16xi32>,
        %get3A_155 = vector.shape_cast %get3A_154 : vector<16xi32> to vector<16xi32>
        %mul3A_156 = arith.constant 10000 : i32
        %mul3A_157 = vector.broadcast %mul3A_156 : i32 to vector<16xi32>
        %mul3A_158 = arith.muli %get3A_155, %mul3A_157 : vector<16xi32>
        %add3A_159 = arith.addi %mul3A_158, %get3A_152 : vector<16xi32>
        %swap3A_160 = arith.index_cast %add3A_108 : i32 to index
        %swap3A_161 = arith.constant 32 : index
        %swap3A_162 = tpu.vector_load %arg10[%swap3A_160, %swap3A_161] {strides = array<i32>} : memref<160x128xi32, #tpu.memory_space<vmem>>, vector<1x16xi32>,
        %swap3A_163 = vector.shape_cast %swap3A_162 : vector<1x16xi32> to vector<16xi32>
        %swap3A_164 = vector.shape_cast %add3A_159 : vector<16xi32> to vector<1x16xi32>
        tpu.vector_store %arg10[%swap3A_160, %swap3A_161], %swap3A_164 {strides = array<i32>} : memref<160x128xi32, #tpu.memory_space<vmem>>, vector<1x16xi32>,
        %mul3A_165 = arith.constant 128 : i32
        %mul3A_166 = arith.muli %scan3A_104, %mul3A_165 : i32
        %add3A_167 = arith.constant 48 : i32
        %add3A_168 = arith.addi %mul3A_166, %add3A_167 : i32
        %get3A_169 = arith.index_cast %add3A_168 : i32 to index
        %get3A_170 = tpu.vector_load %arg11[%get3A_169] {strides = array<i32>} : memref<512xi32, #tpu.memory_space<vmem>>, vector<16xi32>,
        %get3A_171 = vector.shape_cast %get3A_170 : vector<16xi32> to vector<16xi32>
        %get3A_172 = arith.index_cast %add3A_168 : i32 to index
        %get3A_173 = tpu.vector_load %arg12[%get3A_172] {strides = array<i32>} : memref<512xi32, #tpu.memory_space<vmem>>, vector<16xi32>,
        %get3A_174 = vector.shape_cast %get3A_173 : vector<16xi32> to vector<16xi32>
        %mul3A_175 = arith.constant 10000 : i32
        %mul3A_176 = vector.broadcast %mul3A_175 : i32 to vector<16xi32>
        %mul3A_177 = arith.muli %get3A_174, %mul3A_176 : vector<16xi32>
        %add3A_178 = arith.addi %mul3A_177, %get3A_171 : vector<16xi32>
        %swap3A_179 = arith.index_cast %add3A_108 : i32 to index
        %swap3A_180 = arith.constant 48 : index
        %swap3A_181 = tpu.vector_load %arg10[%swap3A_179, %swap3A_180] {strides = array<i32>} : memref<160x128xi32, #tpu.memory_space<vmem>>, vector<1x16xi32>,
        %swap3A_182 = vector.shape_cast %swap3A_181 : vector<1x16xi32> to vector<16xi32>
        %swap3A_183 = vector.shape_cast %add3A_178 : vector<16xi32> to vector<1x16xi32>
        tpu.vector_store %arg10[%swap3A_179, %swap3A_180], %swap3A_183 {strides = array<i32>} : memref<160x128xi32, #tpu.memory_space<vmem>>, vector<1x16xi32>,
        %mul3A_184 = arith.constant 128 : i32
        %mul3A_185 = arith.muli %scan3A_104, %mul3A_184 : i32
        %add3A_186 = arith.constant 64 : i32
        %add3A_187 = arith.addi %mul3A_185, %add3A_186 : i32
        %get3A_188 = arith.index_cast %add3A_187 : i32 to index
        %get3A_189 = tpu.vector_load %arg11[%get3A_188] {strides = array<i32>} : memref<512xi32, #tpu.memory_space<vmem>>, vector<16xi32>,
        %get3A_190 = vector.shape_cast %get3A_189 : vector<16xi32> to vector<16xi32>
        %get3A_191 = arith.index_cast %add3A_187 : i32 to index
        %get3A_192 = tpu.vector_load %arg12[%get3A_191] {strides = array<i32>} : memref<512xi32, #tpu.memory_space<vmem>>, vector<16xi32>,
        %get3A_193 = vector.shape_cast %get3A_192 : vector<16xi32> to vector<16xi32>
        %mul3A_194 = arith.constant 10000 : i32
        %mul3A_195 = vector.broadcast %mul3A_194 : i32 to vector<16xi32>
        %mul3A_196 = arith.muli %get3A_193, %mul3A_195 : vector<16xi32>
        %add3A_197 = arith.addi %mul3A_196, %get3A_190 : vector<16xi32>
        %swap3A_198 = arith.index_cast %add3A_108 : i32 to index
        %swap3A_199 = arith.constant 64 : index
        %swap3A_200 = tpu.vector_load %arg10[%swap3A_198, %swap3A_199] {strides = array<i32>} : memref<160x128xi32, #tpu.memory_space<vmem>>, vector<1x16xi32>,
        %swap3A_201 = vector.shape_cast %swap3A_200 : vector<1x16xi32> to vector<16xi32>
        %swap3A_202 = vector.shape_cast %add3A_197 : vector<16xi32> to vector<1x16xi32>
        tpu.vector_store %arg10[%swap3A_198, %swap3A_199], %swap3A_202 {strides = array<i32>} : memref<160x128xi32, #tpu.memory_space<vmem>>, vector<1x16xi32>,
        %mul3A_203 = arith.constant 128 : i32
        %mul3A_204 = arith.muli %scan3A_104, %mul3A_203 : i32
        %add3A_205 = arith.constant 80 : i32
        %add3A_206 = arith.addi %mul3A_204, %add3A_205 : i32
        %get3A_207 = arith.index_cast %add3A_206 : i32 to index
        %get3A_208 = tpu.vector_load %arg11[%get3A_207] {strides = array<i32>} : memref<512xi32, #tpu.memory_space<vmem>>, vector<16xi32>,
        %get3A_209 = vector.shape_cast %get3A_208 : vector<16xi32> to vector<16xi32>
        %get3A_210 = arith.index_cast %add3A_206 : i32 to index
        %get3A_211 = tpu.vector_load %arg12[%get3A_210] {strides = array<i32>} : memref<512xi32, #tpu.memory_space<vmem>>, vector<16xi32>,
        %get3A_212 = vector.shape_cast %get3A_211 : vector<16xi32> to vector<16xi32>
        %mul3A_213 = arith.constant 10000 : i32
        %mul3A_214 = vector.broadcast %mul3A_213 : i32 to vector<16xi32>
        %mul3A_215 = arith.muli %get3A_212, %mul3A_214 : vector<16xi32>
        %add3A_216 = arith.addi %mul3A_215, %get3A_209 : vector<16xi32>
        %swap3A_217 = arith.index_cast %add3A_108 : i32 to index
        %swap3A_218 = arith.constant 80 : index
        %swap3A_219 = tpu.vector_load %arg10[%swap3A_217, %swap3A_218] {strides = array<i32>} : memref<160x128xi32, #tpu.memory_space<vmem>>, vector<1x16xi32>,
        %swap3A_220 = vector.shape_cast %swap3A_219 : vector<1x16xi32> to vector<16xi32>
        %swap3A_221 = vector.shape_cast %add3A_216 : vector<16xi32> to vector<1x16xi32>
        tpu.vector_store %arg10[%swap3A_217, %swap3A_218], %swap3A_221 {strides = array<i32>} : memref<160x128xi32, #tpu.memory_space<vmem>>, vector<1x16xi32>,
        %mul3A_222 = arith.constant 128 : i32
        %mul3A_223 = arith.muli %scan3A_104, %mul3A_222 : i32
        %add3A_224 = arith.constant 96 : i32
        %add3A_225 = arith.addi %mul3A_223, %add3A_224 : i32
        %get3A_226 = arith.index_cast %add3A_225 : i32 to index
        %get3A_227 = tpu.vector_load %arg11[%get3A_226] {strides = array<i32>} : memref<512xi32, #tpu.memory_space<vmem>>, vector<16xi32>,
        %get3A_228 = vector.shape_cast %get3A_227 : vector<16xi32> to vector<16xi32>
        %get3A_229 = arith.index_cast %add3A_225 : i32 to index
        %get3A_230 = tpu.vector_load %arg12[%get3A_229] {strides = array<i32>} : memref<512xi32, #tpu.memory_space<vmem>>, vector<16xi32>,
        %get3A_231 = vector.shape_cast %get3A_230 : vector<16xi32> to vector<16xi32>
        %mul3A_232 = arith.constant 10000 : i32
        %mul3A_233 = vector.broadcast %mul3A_232 : i32 to vector<16xi32>
        %mul3A_234 = arith.muli %get3A_231, %mul3A_233 : vector<16xi32>
        %add3A_235 = arith.addi %mul3A_234, %get3A_228 : vector<16xi32>
        %swap3A_236 = arith.index_cast %add3A_108 : i32 to index
        %swap3A_237 = arith.constant 96 : index
        %swap3A_238 = tpu.vector_load %arg10[%swap3A_236, %swap3A_237] {strides = array<i32>} : memref<160x128xi32, #tpu.memory_space<vmem>>, vector<1x16xi32>,
        %swap3A_239 = vector.shape_cast %swap3A_238 : vector<1x16xi32> to vector<16xi32>
        %swap3A_240 = vector.shape_cast %add3A_235 : vector<16xi32> to vector<1x16xi32>
        tpu.vector_store %arg10[%swap3A_236, %swap3A_237], %swap3A_240 {strides = array<i32>} : memref<160x128xi32, #tpu.memory_space<vmem>>, vector<1x16xi32>,
        %mul3A_241 = arith.constant 128 : i32
        %mul3A_242 = arith.muli %scan3A_104, %mul3A_241 : i32
        %add3A_243 = arith.constant 112 : i32
        %add3A_244 = arith.addi %mul3A_242, %add3A_243 : i32
        %get3A_245 = arith.index_cast %add3A_244 : i32 to index
        %get3A_246 = tpu.vector_load %arg11[%get3A_245] {strides = array<i32>} : memref<512xi32, #tpu.memory_space<vmem>>, vector<16xi32>,
        %get3A_247 = vector.shape_cast %get3A_246 : vector<16xi32> to vector<16xi32>
        %get3A_248 = arith.index_cast %add3A_244 : i32 to index
        %get3A_249 = tpu.vector_load %arg12[%get3A_248] {strides = array<i32>} : memref<512xi32, #tpu.memory_space<vmem>>, vector<16xi32>,
        %get3A_250 = vector.shape_cast %get3A_249 : vector<16xi32> to vector<16xi32>
        %mul3A_251 = arith.constant 10000 : i32
        %mul3A_252 = vector.broadcast %mul3A_251 : i32 to vector<16xi32>
        %mul3A_253 = arith.muli %get3A_250, %mul3A_252 : vector<16xi32>
        %add3A_254 = arith.addi %mul3A_253, %get3A_247 : vector<16xi32>
        %swap3A_255 = arith.index_cast %add3A_108 : i32 to index
        %swap3A_256 = arith.constant 112 : index
        %swap3A_257 = tpu.vector_load %arg10[%swap3A_255, %swap3A_256] {strides = array<i32>} : memref<160x128xi32, #tpu.memory_space<vmem>>, vector<1x16xi32>,
        %swap3A_258 = vector.shape_cast %swap3A_257 : vector<1x16xi32> to vector<16xi32>
        %swap3A_259 = vector.shape_cast %add3A_254 : vector<16xi32> to vector<1x16xi32>
        tpu.vector_store %arg10[%swap3A_255, %swap3A_256], %swap3A_259 {strides = array<i32>} : memref<160x128xi32, #tpu.memory_space<vmem>>, vector<1x16xi32>,
        %scan3A_260 = arith.constant 0 : i32
        scf.yield %scan3A_260 : i32
      }
      %scan3A_102 = arith.constant 4 : i32
      %scan3A_103 = arith.constant 0 : i32
      scf.yield %scan3A_103 : i32
    }
    %scan3A_81 = arith.constant 40 : i32
    %scan3A_82 = arith.constant 0 : i32
    %scan3A_83 = arith.constant 0 : i32
    %scan3A_84 = arith.constant 5 : i32
    %scan3A_85 = arith.addi %scan3A_83, %scan3A_84 : i32
    %scan3A_86 = arith.constant 1 : i32
    %scan3A_87 = scf.for %scan3A_89 = %scan3A_83 to %scan3A_85 step %scan3A_86 iter_args(%scan3A_90 = %scan3A_82) -> (i32)  : i32 {
      %gt3A = arith.constant 0 : i32
      %gt3A_91 = arith.cmpi sgt, %scan3A_89, %gt3A : i32
      %lt3A = arith.constant 4 : i32
      %lt3A_92 = arith.cmpi slt, %scan3A_89, %lt3A : i32
      %and3A = arith.andi %gt3A_91, %lt3A_92 : i1
      %convert_element_type3A = arith.extui %and3A : i1 to i32
      %cond3A = arith.constant 0 : i32
      %cond3A_93 = arith.cmpi ne, %convert_element_type3A, %cond3A : i32
      scf.if %cond3A_93 {
        %scan3A_120 = arith.constant 0 : i32
        %scan3A_121 = arith.constant 0 : i32
        %scan3A_122 = arith.constant 1280 : i32
        %scan3A_123 = arith.addi %scan3A_121, %scan3A_122 : i32
        %scan3A_124 = arith.constant 1 : i32
        %scan3A_125 = scf.for %scan3A_127 = %scan3A_121 to %scan3A_123 step %scan3A_124 iter_args(%scan3A_128 = %scan3A_120) -> (i32)  : i32 {
          %mul3A_129 = arith.constant 16 : i32
          %mul3A_130 = arith.muli %scan3A_127, %mul3A_129 : i32
          %get3A = arith.index_cast %mul3A_130 : i32 to index
          %get3A_131 = tpu.vector_load %arg9[%get3A] {strides = array<i32>} : memref<20736xi32, #tpu.memory_space<vmem>>, vector<16xi32>,
          %get3A_132 = vector.shape_cast %get3A_131 : vector<16xi32> to vector<16xi32>
          %add3A = arith.constant 10000 : i32
          %add3A_133 = vector.broadcast %add3A : i32 to vector<16xi32>
          %add3A_134 = arith.addi %get3A_132, %add3A_133 : vector<16xi32>
          %mul3A_135 = arith.constant 16 : i32
          %mul3A_136 = arith.muli %scan3A_127, %mul3A_135 : i32
          %swap3A_137 = arith.index_cast %mul3A_136 : i32 to index
          %swap3A_138 = tpu.vector_load %arg9[%swap3A_137] {strides = array<i32>} : memref<20736xi32, #tpu.memory_space<vmem>>, vector<16xi32>,
          %swap3A_139 = vector.shape_cast %swap3A_138 : vector<16xi32> to vector<16xi32>
          %swap3A_140 = vector.shape_cast %add3A_134 : vector<16xi32> to vector<16xi32>
          tpu.vector_store %arg9[%swap3A_137], %swap3A_140 {strides = array<i32>} : memref<20736xi32, #tpu.memory_space<vmem>>, vector<16xi32>,
          %scan3A_141 = arith.constant 0 : i32
          scf.yield %scan3A_141 : i32
        }
        %scan3A_126 = arith.constant 1280 : i32
      } else {
      }
      %mul3A_94 = arith.constant 5008 : i32
      %mul3A_95 = arith.muli %arg1, %mul3A_94 : i32
      %mul3A_96 = arith.constant 5008 : i32
      %mul3A_97 = arith.muli %arg1, %mul3A_96 : i32
      "tpu.region"() ({
        %run_scoped3A = tpu.sem_alloc : memref<!tpu.dma_semaphore, #tpu.memory_space<semaphore_mem>>
        %dma_start3A = arith.constant 0 : i32
        %dma_start3A_120 = tpu.memref_slice %arg14[%mul3A_97, %dma_start3A] : memref<80128x16xf32, #tpu.memory_space<vmem_shared>> -> memref<5008x16xf32, #tpu.memory_space<vmem_shared>>
        %dma_start3A_121 = arith.constant 0 : i32
        %dma_start3A_122 = tpu.memref_slice %arg6[%mul3A_95, %dma_start3A_121] : memref<80128x16xf32, #tpu.memory_space<hbm>> -> memref<5008x16xf32, #tpu.memory_space<hbm>>
        tpu.enqueue_dma source(%dma_start3A_122 : memref<5008x16xf32, #tpu.memory_space<hbm>>) target(%dma_start3A_120 : memref<5008x16xf32, #tpu.memory_space<vmem_shared>>) target_semaphore(%run_scoped3A : memref<!tpu.dma_semaphore, #tpu.memory_space<semaphore_mem>>)
        %dma_wait3A = arith.constant 0 : i32
        %dma_wait3A_123 = tpu.memref_slice %arg14[%mul3A_97, %dma_wait3A] : memref<80128x16xf32, #tpu.memory_space<vmem_shared>> -> memref<5008x16xf32, #tpu.memory_space<vmem_shared>>
        %dma_wait3A_124 = arith.constant 0 : i32
        %dma_wait3A_125 = tpu.memref_slice %arg6[%mul3A_95, %dma_wait3A_124] : memref<80128x16xf32, #tpu.memory_space<hbm>> -> memref<5008x16xf32, #tpu.memory_space<hbm>>
        tpu.wait_dma2 semaphore(%run_scoped3A : memref<!tpu.dma_semaphore, #tpu.memory_space<semaphore_mem>>) src(%dma_wait3A_125 : memref<5008x16xf32, #tpu.memory_space<hbm>>) dst(%dma_wait3A_123 : memref<5008x16xf32, #tpu.memory_space<vmem_shared>>)
        tpu.yield
      }) : () -> ()
      %barrier3A = arith.constant 0 : index
      tpu.barrier barrier_id(%barrier3A)
      %lt3A_98 = arith.constant 4 : i32
      %lt3A_99 = arith.cmpi slt, %scan3A_89, %lt3A_98 : i32
      %convert_element_type3A_100 = arith.extui %lt3A_99 : i1 to i32
      %cond3A_101 = arith.constant 0 : i32
      %cond3A_102 = arith.cmpi ne, %convert_element_type3A_100, %cond3A_101 : i32
      scf.if %cond3A_102 {
        %dma_start3A = arith.constant 0 : i32
        %dma_start3A_120 = arith.constant 0 : i32
        %dma_start3A_121 = arith.constant 0 : i32
        %dma_start3A_122 = arith.constant 0 : i32
        %dma_start3A_123 = tpu.memref_slice %arg13[%dma_start3A, %dma_start3A_121, %dma_start3A_122] : memref<4x128x16xf32, #tpu.memory_space<vmem>> -> memref<1x128x16xf32, #tpu.memory_space<vmem>>
        %dma_start3A_124 = tpu.memref_squeeze %dma_start3A_123 : memref<1x128x16xf32, #tpu.memory_space<vmem>> -> memref<128x16xf32, #tpu.memory_space<vmem>>
        %dma_start3A_125 = arith.constant 0 : i32
        %dma_start3A_126 = tpu.memref_slice %arg9[%dma_start3A_125] : memref<20736xi32, #tpu.memory_space<vmem>> -> memref<128xi32, #tpu.memory_space<vmem>>
        %dma_start3A_127 = arith.constant 0 : i32
        %dma_start3A_128 = arith.constant 0 : i32
        %dma_start3A_129 = tpu.memref_slice %arg5[%dma_start3A_127, %dma_start3A_128] : memref<80000x16xf32, #tpu.memory_space<hbm>> -> memref<80000x16xf32, #tpu.memory_space<hbm>>
        %dma_start3A_130 = tpu.memref_slice %arg15[%dma_start3A_120] : memref<4x!tpu.dma_semaphore, #tpu.memory_space<semaphore_mem>> -> memref<1x!tpu.dma_semaphore, #tpu.memory_space<semaphore_mem>>
        %dma_start3A_131 = tpu.memref_squeeze %dma_start3A_130 : memref<1x!tpu.dma_semaphore, #tpu.memory_space<semaphore_mem>> -> memref<!tpu.dma_semaphore, #tpu.memory_space<semaphore_mem>>
        tpu.enqueue_indirect_dma source(%dma_start3A_129 : memref<80000x16xf32, #tpu.memory_space<hbm>>) target(%dma_start3A_124 : memref<128x16xf32, #tpu.memory_space<vmem>>) offsets(%dma_start3A_126 : memref<128xi32, #tpu.memory_space<vmem>>) semaphore(%dma_start3A_131 : memref<!tpu.dma_semaphore, #tpu.memory_space<semaphore_mem>>)
        %dma_start3A_132 = arith.constant 1 : i32
        %dma_start3A_133 = arith.constant 1 : i32
        %dma_start3A_134 = arith.constant 0 : i32
        %dma_start3A_135 = arith.constant 0 : i32
        %dma_start3A_136 = tpu.memref_slice %arg13[%dma_start3A_132, %dma_start3A_134, %dma_start3A_135] : memref<4x128x16xf32, #tpu.memory_space<vmem>> -> memref<1x128x16xf32, #tpu.memory_space<vmem>>
        %dma_start3A_137 = tpu.memref_squeeze %dma_start3A_136 : memref<1x128x16xf32, #tpu.memory_space<vmem>> -> memref<128x16xf32, #tpu.memory_space<vmem>>
        %dma_start3A_138 = arith.constant 128 : i32
        %dma_start3A_139 = tpu.memref_slice %arg9[%dma_start3A_138] : memref<20736xi32, #tpu.memory_space<vmem>> -> memref<128xi32, #tpu.memory_space<vmem>>
        %dma_start3A_140 = arith.constant 0 : i32
        %dma_start3A_141 = arith.constant 0 : i32
        %dma_start3A_142 = tpu.memref_slice %arg5[%dma_start3A_140, %dma_start3A_141] : memref<80000x16xf32, #tpu.memory_space<hbm>> -> memref<80000x16xf32, #tpu.memory_space<hbm>>
        %dma_start3A_143 = tpu.memref_slice %arg15[%dma_start3A_133] : memref<4x!tpu.dma_semaphore, #tpu.memory_space<semaphore_mem>> -> memref<1x!tpu.dma_semaphore, #tpu.memory_space<semaphore_mem>>
        %dma_start3A_144 = tpu.memref_squeeze %dma_start3A_143 : memref<1x!tpu.dma_semaphore, #tpu.memory_space<semaphore_mem>> -> memref<!tpu.dma_semaphore, #tpu.memory_space<semaphore_mem>>
        tpu.enqueue_indirect_dma source(%dma_start3A_142 : memref<80000x16xf32, #tpu.memory_space<hbm>>) target(%dma_start3A_137 : memref<128x16xf32, #tpu.memory_space<vmem>>) offsets(%dma_start3A_139 : memref<128xi32, #tpu.memory_space<vmem>>) semaphore(%dma_start3A_144 : memref<!tpu.dma_semaphore, #tpu.memory_space<semaphore_mem>>)
        %scan3A_145 = arith.constant 0 : i32
        %scan3A_146 = arith.constant 0 : i32
        %scan3A_147 = arith.constant 40 : i32
        %scan3A_148 = arith.addi %scan3A_146, %scan3A_147 : i32
        %scan3A_149 = arith.constant 1 : i32
        %scan3A_150 = scf.for %scan3A_223 = %scan3A_146 to %scan3A_148 step %scan3A_149 iter_args(%scan3A_224 = %scan3A_145) -> (i32)  : i32 {
          %mul3A_225 = arith.constant 4 : i32
          %mul3A_226 = arith.muli %mul3A_225, %scan3A_223 : i32
          %add3A = arith.constant 0 : i32
          %add3A_227 = arith.addi %mul3A_226, %add3A : i32
          %dma_wait3A_228 = arith.constant 0 : i32
          %dma_wait3A_229 = arith.constant 0 : i32
          %dma_wait3A_230 = arith.constant 0 : i32
          %dma_wait3A_231 = arith.constant 0 : i32
          %dma_wait3A_232 = tpu.memref_slice %arg13[%dma_wait3A_228, %dma_wait3A_230, %dma_wait3A_231] : memref<4x128x16xf32, #tpu.memory_space<vmem>> -> memref<1x128x16xf32, #tpu.memory_space<vmem>>
          %dma_wait3A_233 = tpu.memref_squeeze %dma_wait3A_232 : memref<1x128x16xf32, #tpu.memory_space<vmem>> -> memref<128x16xf32, #tpu.memory_space<vmem>>
          %dma_wait3A_234 = arith.constant 0 : i32
          %dma_wait3A_235 = arith.constant 0 : i32
          %dma_wait3A_236 = tpu.memref_slice %arg5[%dma_wait3A_234, %dma_wait3A_235] : memref<80000x16xf32, #tpu.memory_space<hbm>> -> memref<128x16xf32, #tpu.memory_space<hbm>>
          %dma_wait3A_237 = tpu.memref_slice %arg15[%dma_wait3A_229] : memref<4x!tpu.dma_semaphore, #tpu.memory_space<semaphore_mem>> -> memref<1x!tpu.dma_semaphore, #tpu.memory_space<semaphore_mem>>
          %dma_wait3A_238 = tpu.memref_squeeze %dma_wait3A_237 : memref<1x!tpu.dma_semaphore, #tpu.memory_space<semaphore_mem>> -> memref<!tpu.dma_semaphore, #tpu.memory_space<semaphore_mem>>
          %dma_wait3A_239 = arith.constant 0 : i32
          %dma_wait3A_240 = arith.constant 0 : i32
          %dma_wait3A_241 = tpu.memref_slice %arg13[%dma_wait3A_228, %dma_wait3A_239, %dma_wait3A_240] : memref<4x128x16xf32, #tpu.memory_space<vmem>> -> memref<1x128x16xf32, #tpu.memory_space<vmem>>
          %dma_wait3A_242 = tpu.memref_squeeze %dma_wait3A_241 : memref<1x128x16xf32, #tpu.memory_space<vmem>> -> memref<128x16xf32, #tpu.memory_space<vmem>>
          %dma_wait3A_243 = arith.constant 0 : i32
          %dma_wait3A_244 = arith.constant 0 : i32
          %dma_wait3A_245 = tpu.memref_slice %arg5[%dma_wait3A_243, %dma_wait3A_244] : memref<80000x16xf32, #tpu.memory_space<hbm>> -> memref<128x16xf32, #tpu.memory_space<hbm>>
          tpu.wait_dma2 semaphore(%dma_wait3A_238 : memref<!tpu.dma_semaphore, #tpu.memory_space<semaphore_mem>>) src(%dma_wait3A_245 : memref<128x16xf32, #tpu.memory_space<hbm>>) dst(%dma_wait3A_242 : memref<128x16xf32, #tpu.memory_space<vmem>>)
          %dma_start3A_246 = arith.constant 0 : i32
          %dma_start3A_247 = arith.constant 0 : i32
          %dma_start3A_248 = arith.constant 0 : i32
          %dma_start3A_249 = arith.constant 0 : i32
          %dma_start3A_250 = tpu.memref_slice %arg13[%dma_start3A_246, %dma_start3A_248, %dma_start3A_249] : memref<4x128x16xf32, #tpu.memory_space<vmem>> -> memref<1x128x16xf32, #tpu.memory_space<vmem>>
          %dma_start3A_251 = tpu.memref_squeeze %dma_start3A_250 : memref<1x128x16xf32, #tpu.memory_space<vmem>> -> memref<128x16xf32, #tpu.memory_space<vmem>>
          %dma_start3A_252 = arith.constant 0 : i32
          %dma_start3A_253 = tpu.memref_slice %arg10[%add3A_227, %dma_start3A_252] : memref<160x128xi32, #tpu.memory_space<vmem>> -> memref<1x128xi32, #tpu.memory_space<vmem>>
          %dma_start3A_254 = tpu.memref_squeeze %dma_start3A_253 : memref<1x128xi32, #tpu.memory_space<vmem>> -> memref<128xi32, #tpu.memory_space<vmem>>
          %dma_start3A_255 = arith.constant 0 : i32
          %dma_start3A_256 = arith.constant 0 : i32
          %dma_start3A_257 = tpu.memref_slice %arg14[%dma_start3A_255, %dma_start3A_256] : memref<80128x16xf32, #tpu.memory_space<vmem_shared>> -> memref<80128x16xf32, #tpu.memory_space<vmem_shared>>
          %dma_start3A_258 = tpu.memref_slice %arg16[%dma_start3A_247] : memref<4x!tpu.dma_semaphore, #tpu.memory_space<semaphore_mem>> -> memref<1x!tpu.dma_semaphore, #tpu.memory_space<semaphore_mem>>
          %dma_start3A_259 = tpu.memref_squeeze %dma_start3A_258 : memref<1x!tpu.dma_semaphore, #tpu.memory_space<semaphore_mem>> -> memref<!tpu.dma_semaphore, #tpu.memory_space<semaphore_mem>>
          tpu.enqueue_indirect_dma source(%dma_start3A_251 : memref<128x16xf32, #tpu.memory_space<vmem>>) target(%dma_start3A_257 : memref<80128x16xf32, #tpu.memory_space<vmem_shared>>) offsets(%dma_start3A_254 : memref<128xi32, #tpu.memory_space<vmem>>) semaphore(%dma_start3A_259 : memref<!tpu.dma_semaphore, #tpu.memory_space<semaphore_mem>>) {add = true}
          %ge3A = arith.constant 2 : i32
          %ge3A_260 = arith.cmpi sge, %add3A_227, %ge3A : i32
          %convert_element_type3A_261 = arith.extui %ge3A_260 : i1 to i32
          %cond3A_262 = arith.constant 0 : i32
          %cond3A_263 = arith.cmpi ne, %convert_element_type3A_261, %cond3A_262 : i32
          scf.if %cond3A_263 {
            %dma_wait3A_452 = arith.constant 2 : i32
            %dma_wait3A_453 = arith.constant 2 : i32
            %dma_wait3A_454 = arith.constant 0 : i32
            %dma_wait3A_455 = arith.constant 0 : i32
            %dma_wait3A_456 = tpu.memref_slice %arg13[%dma_wait3A_452, %dma_wait3A_454, %dma_wait3A_455] : memref<4x128x16xf32, #tpu.memory_space<vmem>> -> memref<1x128x16xf32, #tpu.memory_space<vmem>>
            %dma_wait3A_457 = tpu.memref_squeeze %dma_wait3A_456 : memref<1x128x16xf32, #tpu.memory_space<vmem>> -> memref<128x16xf32, #tpu.memory_space<vmem>>
            %dma_wait3A_458 = arith.constant 0 : i32
            %dma_wait3A_459 = arith.constant 0 : i32
            %dma_wait3A_460 = tpu.memref_slice %arg5[%dma_wait3A_458, %dma_wait3A_459] : memref<80000x16xf32, #tpu.memory_space<hbm>> -> memref<128x16xf32, #tpu.memory_space<hbm>>
            %dma_wait3A_461 = tpu.memref_slice %arg16[%dma_wait3A_453] : memref<4x!tpu.dma_semaphore, #tpu.memory_space<semaphore_mem>> -> memref<1x!tpu.dma_semaphore, #tpu.memory_space<semaphore_mem>>
            %dma_wait3A_462 = tpu.memref_squeeze %dma_wait3A_461 : memref<1x!tpu.dma_semaphore, #tpu.memory_space<semaphore_mem>> -> memref<!tpu.dma_semaphore, #tpu.memory_space<semaphore_mem>>
            %dma_wait3A_463 = arith.constant 0 : i32
            %dma_wait3A_464 = arith.constant 0 : i32
            %dma_wait3A_465 = tpu.memref_slice %arg13[%dma_wait3A_452, %dma_wait3A_463, %dma_wait3A_464] : memref<4x128x16xf32, #tpu.memory_space<vmem>> -> memref<1x128x16xf32, #tpu.memory_space<vmem>>
            %dma_wait3A_466 = tpu.memref_squeeze %dma_wait3A_465 : memref<1x128x16xf32, #tpu.memory_space<vmem>> -> memref<128x16xf32, #tpu.memory_space<vmem>>
            %dma_wait3A_467 = arith.constant 0 : i32
            %dma_wait3A_468 = arith.constant 0 : i32
            %dma_wait3A_469 = tpu.memref_slice %arg5[%dma_wait3A_467, %dma_wait3A_468] : memref<80000x16xf32, #tpu.memory_space<hbm>> -> memref<128x16xf32, #tpu.memory_space<hbm>>
            tpu.wait_dma2 semaphore(%dma_wait3A_462 : memref<!tpu.dma_semaphore, #tpu.memory_space<semaphore_mem>>) src(%dma_wait3A_469 : memref<128x16xf32, #tpu.memory_space<hbm>>) dst(%dma_wait3A_466 : memref<128x16xf32, #tpu.memory_space<vmem>>)
          } else {
          }
          %add3A_264 = arith.constant 2 : i32
          %add3A_265 = arith.addi %add3A_227, %add3A_264 : i32
          %mul3A_266 = arith.constant 128 : i32
          %mul3A_267 = arith.muli %add3A_265, %mul3A_266 : i32
          %dma_start3A_268 = arith.constant 2 : i32
          %dma_start3A_269 = arith.constant 2 : i32
          %dma_start3A_270 = arith.constant 0 : i32
          %dma_start3A_271 = arith.constant 0 : i32
          %dma_start3A_272 = tpu.memref_slice %arg13[%dma_start3A_268, %dma_start3A_270, %dma_start3A_271] : memref<4x128x16xf32, #tpu.memory_space<vmem>> -> memref<1x128x16xf32, #tpu.memory_space<vmem>>
          %dma_start3A_273 = tpu.memref_squeeze %dma_start3A_272 : memref<1x128x16xf32, #tpu.memory_space<vmem>> -> memref<128x16xf32, #tpu.memory_space<vmem>>
          %dma_start3A_274 = tpu.memref_slice %arg9[%mul3A_267] : memref<20736xi32, #tpu.memory_space<vmem>> -> memref<128xi32, #tpu.memory_space<vmem>>
          %dma_start3A_275 = arith.constant 0 : i32
          %dma_start3A_276 = arith.constant 0 : i32
          %dma_start3A_277 = tpu.memref_slice %arg5[%dma_start3A_275, %dma_start3A_276] : memref<80000x16xf32, #tpu.memory_space<hbm>> -> memref<80000x16xf32, #tpu.memory_space<hbm>>
          %dma_start3A_278 = tpu.memref_slice %arg15[%dma_start3A_269] : memref<4x!tpu.dma_semaphore, #tpu.memory_space<semaphore_mem>> -> memref<1x!tpu.dma_semaphore, #tpu.memory_space<semaphore_mem>>
          %dma_start3A_279 = tpu.memref_squeeze %dma_start3A_278 : memref<1x!tpu.dma_semaphore, #tpu.memory_space<semaphore_mem>> -> memref<!tpu.dma_semaphore, #tpu.memory_space<semaphore_mem>>
          tpu.enqueue_indirect_dma source(%dma_start3A_277 : memref<80000x16xf32, #tpu.memory_space<hbm>>) target(%dma_start3A_273 : memref<128x16xf32, #tpu.memory_space<vmem>>) offsets(%dma_start3A_274 : memref<128xi32, #tpu.memory_space<vmem>>) semaphore(%dma_start3A_279 : memref<!tpu.dma_semaphore, #tpu.memory_space<semaphore_mem>>)
          %mul3A_280 = arith.constant 4 : i32
          %mul3A_281 = arith.muli %mul3A_280, %scan3A_223 : i32
          %add3A_282 = arith.constant 1 : i32
          %add3A_283 = arith.addi %mul3A_281, %add3A_282 : i32
          %dma_wait3A_284 = arith.constant 1 : i32
          %dma_wait3A_285 = arith.constant 1 : i32
          %dma_wait3A_286 = arith.constant 0 : i32
          %dma_wait3A_287 = arith.constant 0 : i32
          %dma_wait3A_288 = tpu.memref_slice %arg13[%dma_wait3A_284, %dma_wait3A_286, %dma_wait3A_287] : memref<4x128x16xf32, #tpu.memory_space<vmem>> -> memref<1x128x16xf32, #tpu.memory_space<vmem>>
          %dma_wait3A_289 = tpu.memref_squeeze %dma_wait3A_288 : memref<1x128x16xf32, #tpu.memory_space<vmem>> -> memref<128x16xf32, #tpu.memory_space<vmem>>
          %dma_wait3A_290 = arith.constant 0 : i32
          %dma_wait3A_291 = arith.constant 0 : i32
          %dma_wait3A_292 = tpu.memref_slice %arg5[%dma_wait3A_290, %dma_wait3A_291] : memref<80000x16xf32, #tpu.memory_space<hbm>> -> memref<128x16xf32, #tpu.memory_space<hbm>>
          %dma_wait3A_293 = tpu.memref_slice %arg15[%dma_wait3A_285] : memref<4x!tpu.dma_semaphore, #tpu.memory_space<semaphore_mem>> -> memref<1x!tpu.dma_semaphore, #tpu.memory_space<semaphore_mem>>
          %dma_wait3A_294 = tpu.memref_squeeze %dma_wait3A_293 : memref<1x!tpu.dma_semaphore, #tpu.memory_space<semaphore_mem>> -> memref<!tpu.dma_semaphore, #tpu.memory_space<semaphore_mem>>
          %dma_wait3A_295 = arith.constant 0 : i32
          %dma_wait3A_296 = arith.constant 0 : i32
          %dma_wait3A_297 = tpu.memref_slice %arg13[%dma_wait3A_284, %dma_wait3A_295, %dma_wait3A_296] : memref<4x128x16xf32, #tpu.memory_space<vmem>> -> memref<1x128x16xf32, #tpu.memory_space<vmem>>
          %dma_wait3A_298 = tpu.memref_squeeze %dma_wait3A_297 : memref<1x128x16xf32, #tpu.memory_space<vmem>> -> memref<128x16xf32, #tpu.memory_space<vmem>>
          %dma_wait3A_299 = arith.constant 0 : i32
          %dma_wait3A_300 = arith.constant 0 : i32
          %dma_wait3A_301 = tpu.memref_slice %arg5[%dma_wait3A_299, %dma_wait3A_300] : memref<80000x16xf32, #tpu.memory_space<hbm>> -> memref<128x16xf32, #tpu.memory_space<hbm>>
          tpu.wait_dma2 semaphore(%dma_wait3A_294 : memref<!tpu.dma_semaphore, #tpu.memory_space<semaphore_mem>>) src(%dma_wait3A_301 : memref<128x16xf32, #tpu.memory_space<hbm>>) dst(%dma_wait3A_298 : memref<128x16xf32, #tpu.memory_space<vmem>>)
          %dma_start3A_302 = arith.constant 1 : i32
          %dma_start3A_303 = arith.constant 1 : i32
          %dma_start3A_304 = arith.constant 0 : i32
          %dma_start3A_305 = arith.constant 0 : i32
          %dma_start3A_306 = tpu.memref_slice %arg13[%dma_start3A_302, %dma_start3A_304, %dma_start3A_305] : memref<4x128x16xf32, #tpu.memory_space<vmem>> -> memref<1x128x16xf32, #tpu.memory_space<vmem>>
          %dma_start3A_307 = tpu.memref_squeeze %dma_start3A_306 : memref<1x128x16xf32, #tpu.memory_space<vmem>> -> memref<128x16xf32, #tpu.memory_space<vmem>>
          %dma_start3A_308 = arith.constant 0 : i32
          %dma_start3A_309 = tpu.memref_slice %arg10[%add3A_283, %dma_start3A_308] : memref<160x128xi32, #tpu.memory_space<vmem>> -> memref<1x128xi32, #tpu.memory_space<vmem>>
          %dma_start3A_310 = tpu.memref_squeeze %dma_start3A_309 : memref<1x128xi32, #tpu.memory_space<vmem>> -> memref<128xi32, #tpu.memory_space<vmem>>
          %dma_start3A_311 = arith.constant 0 : i32
          %dma_start3A_312 = arith.constant 0 : i32
          %dma_start3A_313 = tpu.memref_slice %arg14[%dma_start3A_311, %dma_start3A_312] : memref<80128x16xf32, #tpu.memory_space<vmem_shared>> -> memref<80128x16xf32, #tpu.memory_space<vmem_shared>>
          %dma_start3A_314 = tpu.memref_slice %arg16[%dma_start3A_303] : memref<4x!tpu.dma_semaphore, #tpu.memory_space<semaphore_mem>> -> memref<1x!tpu.dma_semaphore, #tpu.memory_space<semaphore_mem>>
          %dma_start3A_315 = tpu.memref_squeeze %dma_start3A_314 : memref<1x!tpu.dma_semaphore, #tpu.memory_space<semaphore_mem>> -> memref<!tpu.dma_semaphore, #tpu.memory_space<semaphore_mem>>
          tpu.enqueue_indirect_dma source(%dma_start3A_307 : memref<128x16xf32, #tpu.memory_space<vmem>>) target(%dma_start3A_313 : memref<80128x16xf32, #tpu.memory_space<vmem_shared>>) offsets(%dma_start3A_310 : memref<128xi32, #tpu.memory_space<vmem>>) semaphore(%dma_start3A_315 : memref<!tpu.dma_semaphore, #tpu.memory_space<semaphore_mem>>) {add = true}
          %ge3A_316 = arith.constant 2 : i32
          %ge3A_317 = arith.cmpi sge, %add3A_283, %ge3A_316 : i32
          %convert_element_type3A_318 = arith.extui %ge3A_317 : i1 to i32
          %cond3A_319 = arith.constant 0 : i32
          %cond3A_320 = arith.cmpi ne, %convert_element_type3A_318, %cond3A_319 : i32
          scf.if %cond3A_320 {
            %dma_wait3A_452 = arith.constant 3 : i32
            %dma_wait3A_453 = arith.constant 3 : i32
            %dma_wait3A_454 = arith.constant 0 : i32
            %dma_wait3A_455 = arith.constant 0 : i32
            %dma_wait3A_456 = tpu.memref_slice %arg13[%dma_wait3A_452, %dma_wait3A_454, %dma_wait3A_455] : memref<4x128x16xf32, #tpu.memory_space<vmem>> -> memref<1x128x16xf32, #tpu.memory_space<vmem>>
            %dma_wait3A_457 = tpu.memref_squeeze %dma_wait3A_456 : memref<1x128x16xf32, #tpu.memory_space<vmem>> -> memref<128x16xf32, #tpu.memory_space<vmem>>
            %dma_wait3A_458 = arith.constant 0 : i32
            %dma_wait3A_459 = arith.constant 0 : i32
            %dma_wait3A_460 = tpu.memref_slice %arg5[%dma_wait3A_458, %dma_wait3A_459] : memref<80000x16xf32, #tpu.memory_space<hbm>> -> memref<128x16xf32, #tpu.memory_space<hbm>>
            %dma_wait3A_461 = tpu.memref_slice %arg16[%dma_wait3A_453] : memref<4x!tpu.dma_semaphore, #tpu.memory_space<semaphore_mem>> -> memref<1x!tpu.dma_semaphore, #tpu.memory_space<semaphore_mem>>
            %dma_wait3A_462 = tpu.memref_squeeze %dma_wait3A_461 : memref<1x!tpu.dma_semaphore, #tpu.memory_space<semaphore_mem>> -> memref<!tpu.dma_semaphore, #tpu.memory_space<semaphore_mem>>
            %dma_wait3A_463 = arith.constant 0 : i32
            %dma_wait3A_464 = arith.constant 0 : i32
            %dma_wait3A_465 = tpu.memref_slice %arg13[%dma_wait3A_452, %dma_wait3A_463, %dma_wait3A_464] : memref<4x128x16xf32, #tpu.memory_space<vmem>> -> memref<1x128x16xf32, #tpu.memory_space<vmem>>
            %dma_wait3A_466 = tpu.memref_squeeze %dma_wait3A_465 : memref<1x128x16xf32, #tpu.memory_space<vmem>> -> memref<128x16xf32, #tpu.memory_space<vmem>>
            %dma_wait3A_467 = arith.constant 0 : i32
            %dma_wait3A_468 = arith.constant 0 : i32
            %dma_wait3A_469 = tpu.memref_slice %arg5[%dma_wait3A_467, %dma_wait3A_468] : memref<80000x16xf32, #tpu.memory_space<hbm>> -> memref<128x16xf32, #tpu.memory_space<hbm>>
            tpu.wait_dma2 semaphore(%dma_wait3A_462 : memref<!tpu.dma_semaphore, #tpu.memory_space<semaphore_mem>>) src(%dma_wait3A_469 : memref<128x16xf32, #tpu.memory_space<hbm>>) dst(%dma_wait3A_466 : memref<128x16xf32, #tpu.memory_space<vmem>>)
          } else {
          }
          %add3A_321 = arith.constant 2 : i32
          %add3A_322 = arith.addi %add3A_283, %add3A_321 : i32
          %mul3A_323 = arith.constant 128 : i32
          %mul3A_324 = arith.muli %add3A_322, %mul3A_323 : i32
          %dma_start3A_325 = arith.constant 3 : i32
          %dma_start3A_326 = arith.constant 3 : i32
          %dma_start3A_327 = arith.constant 0 : i32
          %dma_start3A_328 = arith.constant 0 : i32
          %dma_start3A_329 = tpu.memref_slice %arg13[%dma_start3A_325, %dma_start3A_327, %dma_start3A_328] : memref<4x128x16xf32, #tpu.memory_space<vmem>> -> memref<1x128x16xf32, #tpu.memory_space<vmem>>
          %dma_start3A_330 = tpu.memref_squeeze %dma_start3A_329 : memref<1x128x16xf32, #tpu.memory_space<vmem>> -> memref<128x16xf32, #tpu.memory_space<vmem>>
          %dma_start3A_331 = tpu.memref_slice %arg9[%mul3A_324] : memref<20736xi32, #tpu.memory_space<vmem>> -> memref<128xi32, #tpu.memory_space<vmem>>
          %dma_start3A_332 = arith.constant 0 : i32
          %dma_start3A_333 = arith.constant 0 : i32
          %dma_start3A_334 = tpu.memref_slice %arg5[%dma_start3A_332, %dma_start3A_333] : memref<80000x16xf32, #tpu.memory_space<hbm>> -> memref<80000x16xf32, #tpu.memory_space<hbm>>
          %dma_start3A_335 = tpu.memref_slice %arg15[%dma_start3A_326] : memref<4x!tpu.dma_semaphore, #tpu.memory_space<semaphore_mem>> -> memref<1x!tpu.dma_semaphore, #tpu.memory_space<semaphore_mem>>
          %dma_start3A_336 = tpu.memref_squeeze %dma_start3A_335 : memref<1x!tpu.dma_semaphore, #tpu.memory_space<semaphore_mem>> -> memref<!tpu.dma_semaphore, #tpu.memory_space<semaphore_mem>>
          tpu.enqueue_indirect_dma source(%dma_start3A_334 : memref<80000x16xf32, #tpu.memory_space<hbm>>) target(%dma_start3A_330 : memref<128x16xf32, #tpu.memory_space<vmem>>) offsets(%dma_start3A_331 : memref<128xi32, #tpu.memory_space<vmem>>) semaphore(%dma_start3A_336 : memref<!tpu.dma_semaphore, #tpu.memory_space<semaphore_mem>>)
          %mul3A_337 = arith.constant 4 : i32
          %mul3A_338 = arith.muli %mul3A_337, %scan3A_223 : i32
          %add3A_339 = arith.constant 2 : i32
          %add3A_340 = arith.addi %mul3A_338, %add3A_339 : i32
          %dma_wait3A_341 = arith.constant 2 : i32
          %dma_wait3A_342 = arith.constant 2 : i32
          %dma_wait3A_343 = arith.constant 0 : i32
          %dma_wait3A_344 = arith.constant 0 : i32
          %dma_wait3A_345 = tpu.memref_slice %arg13[%dma_wait3A_341, %dma_wait3A_343, %dma_wait3A_344] : memref<4x128x16xf32, #tpu.memory_space<vmem>> -> memref<1x128x16xf32, #tpu.memory_space<vmem>>
          %dma_wait3A_346 = tpu.memref_squeeze %dma_wait3A_345 : memref<1x128x16xf32, #tpu.memory_space<vmem>> -> memref<128x16xf32, #tpu.memory_space<vmem>>
          %dma_wait3A_347 = arith.constant 0 : i32
          %dma_wait3A_348 = arith.constant 0 : i32
          %dma_wait3A_349 = tpu.memref_slice %arg5[%dma_wait3A_347, %dma_wait3A_348] : memref<80000x16xf32, #tpu.memory_space<hbm>> -> memref<128x16xf32, #tpu.memory_space<hbm>>
          %dma_wait3A_350 = tpu.memref_slice %arg15[%dma_wait3A_342] : memref<4x!tpu.dma_semaphore, #tpu.memory_space<semaphore_mem>> -> memref<1x!tpu.dma_semaphore, #tpu.memory_space<semaphore_mem>>
          %dma_wait3A_351 = tpu.memref_squeeze %dma_wait3A_350 : memref<1x!tpu.dma_semaphore, #tpu.memory_space<semaphore_mem>> -> memref<!tpu.dma_semaphore, #tpu.memory_space<semaphore_mem>>
          %dma_wait3A_352 = arith.constant 0 : i32
          %dma_wait3A_353 = arith.constant 0 : i32
          %dma_wait3A_354 = tpu.memref_slice %arg13[%dma_wait3A_341, %dma_wait3A_352, %dma_wait3A_353] : memref<4x128x16xf32, #tpu.memory_space<vmem>> -> memref<1x128x16xf32, #tpu.memory_space<vmem>>
          %dma_wait3A_355 = tpu.memref_squeeze %dma_wait3A_354 : memref<1x128x16xf32, #tpu.memory_space<vmem>> -> memref<128x16xf32, #tpu.memory_space<vmem>>
          %dma_wait3A_356 = arith.constant 0 : i32
          %dma_wait3A_357 = arith.constant 0 : i32
          %dma_wait3A_358 = tpu.memref_slice %arg5[%dma_wait3A_356, %dma_wait3A_357] : memref<80000x16xf32, #tpu.memory_space<hbm>> -> memref<128x16xf32, #tpu.memory_space<hbm>>
          tpu.wait_dma2 semaphore(%dma_wait3A_351 : memref<!tpu.dma_semaphore, #tpu.memory_space<semaphore_mem>>) src(%dma_wait3A_358 : memref<128x16xf32, #tpu.memory_space<hbm>>) dst(%dma_wait3A_355 : memref<128x16xf32, #tpu.memory_space<vmem>>)
          %dma_start3A_359 = arith.constant 2 : i32
          %dma_start3A_360 = arith.constant 2 : i32
          %dma_start3A_361 = arith.constant 0 : i32
          %dma_start3A_362 = arith.constant 0 : i32
          %dma_start3A_363 = tpu.memref_slice %arg13[%dma_start3A_359, %dma_start3A_361, %dma_start3A_362] : memref<4x128x16xf32, #tpu.memory_space<vmem>> -> memref<1x128x16xf32, #tpu.memory_space<vmem>>
          %dma_start3A_364 = tpu.memref_squeeze %dma_start3A_363 : memref<1x128x16xf32, #tpu.memory_space<vmem>> -> memref<128x16xf32, #tpu.memory_space<vmem>>
          %dma_start3A_365 = arith.constant 0 : i32
          %dma_start3A_366 = tpu.memref_slice %arg10[%add3A_340, %dma_start3A_365] : memref<160x128xi32, #tpu.memory_space<vmem>> -> memref<1x128xi32, #tpu.memory_space<vmem>>
          %dma_start3A_367 = tpu.memref_squeeze %dma_start3A_366 : memref<1x128xi32, #tpu.memory_space<vmem>> -> memref<128xi32, #tpu.memory_space<vmem>>
          %dma_start3A_368 = arith.constant 0 : i32
          %dma_start3A_369 = arith.constant 0 : i32
          %dma_start3A_370 = tpu.memref_slice %arg14[%dma_start3A_368, %dma_start3A_369] : memref<80128x16xf32, #tpu.memory_space<vmem_shared>> -> memref<80128x16xf32, #tpu.memory_space<vmem_shared>>
          %dma_start3A_371 = tpu.memref_slice %arg16[%dma_start3A_360] : memref<4x!tpu.dma_semaphore, #tpu.memory_space<semaphore_mem>> -> memref<1x!tpu.dma_semaphore, #tpu.memory_space<semaphore_mem>>
          %dma_start3A_372 = tpu.memref_squeeze %dma_start3A_371 : memref<1x!tpu.dma_semaphore, #tpu.memory_space<semaphore_mem>> -> memref<!tpu.dma_semaphore, #tpu.memory_space<semaphore_mem>>
          tpu.enqueue_indirect_dma source(%dma_start3A_364 : memref<128x16xf32, #tpu.memory_space<vmem>>) target(%dma_start3A_370 : memref<80128x16xf32, #tpu.memory_space<vmem_shared>>) offsets(%dma_start3A_367 : memref<128xi32, #tpu.memory_space<vmem>>) semaphore(%dma_start3A_372 : memref<!tpu.dma_semaphore, #tpu.memory_space<semaphore_mem>>) {add = true}
          %ge3A_373 = arith.constant 2 : i32
          %ge3A_374 = arith.cmpi sge, %add3A_340, %ge3A_373 : i32
          %convert_element_type3A_375 = arith.extui %ge3A_374 : i1 to i32
          %cond3A_376 = arith.constant 0 : i32
          %cond3A_377 = arith.cmpi ne, %convert_element_type3A_375, %cond3A_376 : i32
          scf.if %cond3A_377 {
            %dma_wait3A_452 = arith.constant 0 : i32
            %dma_wait3A_453 = arith.constant 0 : i32
            %dma_wait3A_454 = arith.constant 0 : i32
            %dma_wait3A_455 = arith.constant 0 : i32
            %dma_wait3A_456 = tpu.memref_slice %arg13[%dma_wait3A_452, %dma_wait3A_454, %dma_wait3A_455] : memref<4x128x16xf32, #tpu.memory_space<vmem>> -> memref<1x128x16xf32, #tpu.memory_space<vmem>>
            %dma_wait3A_457 = tpu.memref_squeeze %dma_wait3A_456 : memref<1x128x16xf32, #tpu.memory_space<vmem>> -> memref<128x16xf32, #tpu.memory_space<vmem>>
            %dma_wait3A_458 = arith.constant 0 : i32
            %dma_wait3A_459 = arith.constant 0 : i32
            %dma_wait3A_460 = tpu.memref_slice %arg5[%dma_wait3A_458, %dma_wait3A_459] : memref<80000x16xf32, #tpu.memory_space<hbm>> -> memref<128x16xf32, #tpu.memory_space<hbm>>
            %dma_wait3A_461 = tpu.memref_slice %arg16[%dma_wait3A_453] : memref<4x!tpu.dma_semaphore, #tpu.memory_space<semaphore_mem>> -> memref<1x!tpu.dma_semaphore, #tpu.memory_space<semaphore_mem>>
            %dma_wait3A_462 = tpu.memref_squeeze %dma_wait3A_461 : memref<1x!tpu.dma_semaphore, #tpu.memory_space<semaphore_mem>> -> memref<!tpu.dma_semaphore, #tpu.memory_space<semaphore_mem>>
            %dma_wait3A_463 = arith.constant 0 : i32
            %dma_wait3A_464 = arith.constant 0 : i32
            %dma_wait3A_465 = tpu.memref_slice %arg13[%dma_wait3A_452, %dma_wait3A_463, %dma_wait3A_464] : memref<4x128x16xf32, #tpu.memory_space<vmem>> -> memref<1x128x16xf32, #tpu.memory_space<vmem>>
            %dma_wait3A_466 = tpu.memref_squeeze %dma_wait3A_465 : memref<1x128x16xf32, #tpu.memory_space<vmem>> -> memref<128x16xf32, #tpu.memory_space<vmem>>
            %dma_wait3A_467 = arith.constant 0 : i32
            %dma_wait3A_468 = arith.constant 0 : i32
            %dma_wait3A_469 = tpu.memref_slice %arg5[%dma_wait3A_467, %dma_wait3A_468] : memref<80000x16xf32, #tpu.memory_space<hbm>> -> memref<128x16xf32, #tpu.memory_space<hbm>>
            tpu.wait_dma2 semaphore(%dma_wait3A_462 : memref<!tpu.dma_semaphore, #tpu.memory_space<semaphore_mem>>) src(%dma_wait3A_469 : memref<128x16xf32, #tpu.memory_space<hbm>>) dst(%dma_wait3A_466 : memref<128x16xf32, #tpu.memory_space<vmem>>)
          } else {
          }
          %add3A_378 = arith.constant 2 : i32
          %add3A_379 = arith.addi %add3A_340, %add3A_378 : i32
          %mul3A_380 = arith.constant 128 : i32
          %mul3A_381 = arith.muli %add3A_379, %mul3A_380 : i32
          %dma_start3A_382 = arith.constant 0 : i32
          %dma_start3A_383 = arith.constant 0 : i32
          %dma_start3A_384 = arith.constant 0 : i32
          %dma_start3A_385 = arith.constant 0 : i32
          %dma_start3A_386 = tpu.memref_slice %arg13[%dma_start3A_382, %dma_start3A_384, %dma_start3A_385] : memref<4x128x16xf32, #tpu.memory_space<vmem>> -> memref<1x128x16xf32, #tpu.memory_space<vmem>>
          %dma_start3A_387 = tpu.memref_squeeze %dma_start3A_386 : memref<1x128x16xf32, #tpu.memory_space<vmem>> -> memref<128x16xf32, #tpu.memory_space<vmem>>
          %dma_start3A_388 = tpu.memref_slice %arg9[%mul3A_381] : memref<20736xi32, #tpu.memory_space<vmem>> -> memref<128xi32, #tpu.memory_space<vmem>>
          %dma_start3A_389 = arith.constant 0 : i32
          %dma_start3A_390 = arith.constant 0 : i32
          %dma_start3A_391 = tpu.memref_slice %arg5[%dma_start3A_389, %dma_start3A_390] : memref<80000x16xf32, #tpu.memory_space<hbm>> -> memref<80000x16xf32, #tpu.memory_space<hbm>>
          %dma_start3A_392 = tpu.memref_slice %arg15[%dma_start3A_383] : memref<4x!tpu.dma_semaphore, #tpu.memory_space<semaphore_mem>> -> memref<1x!tpu.dma_semaphore, #tpu.memory_space<semaphore_mem>>
          %dma_start3A_393 = tpu.memref_squeeze %dma_start3A_392 : memref<1x!tpu.dma_semaphore, #tpu.memory_space<semaphore_mem>> -> memref<!tpu.dma_semaphore, #tpu.memory_space<semaphore_mem>>
          tpu.enqueue_indirect_dma source(%dma_start3A_391 : memref<80000x16xf32, #tpu.memory_space<hbm>>) target(%dma_start3A_387 : memref<128x16xf32, #tpu.memory_space<vmem>>) offsets(%dma_start3A_388 : memref<128xi32, #tpu.memory_space<vmem>>) semaphore(%dma_start3A_393 : memref<!tpu.dma_semaphore, #tpu.memory_space<semaphore_mem>>)
          %mul3A_394 = arith.constant 4 : i32
          %mul3A_395 = arith.muli %mul3A_394, %scan3A_223 : i32
          %add3A_396 = arith.constant 3 : i32
          %add3A_397 = arith.addi %mul3A_395, %add3A_396 : i32
          %dma_wait3A_398 = arith.constant 3 : i32
          %dma_wait3A_399 = arith.constant 3 : i32
          %dma_wait3A_400 = arith.constant 0 : i32
          %dma_wait3A_401 = arith.constant 0 : i32
          %dma_wait3A_402 = tpu.memref_slice %arg13[%dma_wait3A_398, %dma_wait3A_400, %dma_wait3A_401] : memref<4x128x16xf32, #tpu.memory_space<vmem>> -> memref<1x128x16xf32, #tpu.memory_space<vmem>>
          %dma_wait3A_403 = tpu.memref_squeeze %dma_wait3A_402 : memref<1x128x16xf32, #tpu.memory_space<vmem>> -> memref<128x16xf32, #tpu.memory_space<vmem>>
          %dma_wait3A_404 = arith.constant 0 : i32
          %dma_wait3A_405 = arith.constant 0 : i32
          %dma_wait3A_406 = tpu.memref_slice %arg5[%dma_wait3A_404, %dma_wait3A_405] : memref<80000x16xf32, #tpu.memory_space<hbm>> -> memref<128x16xf32, #tpu.memory_space<hbm>>
          %dma_wait3A_407 = tpu.memref_slice %arg15[%dma_wait3A_399] : memref<4x!tpu.dma_semaphore, #tpu.memory_space<semaphore_mem>> -> memref<1x!tpu.dma_semaphore, #tpu.memory_space<semaphore_mem>>
          %dma_wait3A_408 = tpu.memref_squeeze %dma_wait3A_407 : memref<1x!tpu.dma_semaphore, #tpu.memory_space<semaphore_mem>> -> memref<!tpu.dma_semaphore, #tpu.memory_space<semaphore_mem>>
          %dma_wait3A_409 = arith.constant 0 : i32
          %dma_wait3A_410 = arith.constant 0 : i32
          %dma_wait3A_411 = tpu.memref_slice %arg13[%dma_wait3A_398, %dma_wait3A_409, %dma_wait3A_410] : memref<4x128x16xf32, #tpu.memory_space<vmem>> -> memref<1x128x16xf32, #tpu.memory_space<vmem>>
          %dma_wait3A_412 = tpu.memref_squeeze %dma_wait3A_411 : memref<1x128x16xf32, #tpu.memory_space<vmem>> -> memref<128x16xf32, #tpu.memory_space<vmem>>
          %dma_wait3A_413 = arith.constant 0 : i32
          %dma_wait3A_414 = arith.constant 0 : i32
          %dma_wait3A_415 = tpu.memref_slice %arg5[%dma_wait3A_413, %dma_wait3A_414] : memref<80000x16xf32, #tpu.memory_space<hbm>> -> memref<128x16xf32, #tpu.memory_space<hbm>>
          tpu.wait_dma2 semaphore(%dma_wait3A_408 : memref<!tpu.dma_semaphore, #tpu.memory_space<semaphore_mem>>) src(%dma_wait3A_415 : memref<128x16xf32, #tpu.memory_space<hbm>>) dst(%dma_wait3A_412 : memref<128x16xf32, #tpu.memory_space<vmem>>)
          %dma_start3A_416 = arith.constant 3 : i32
          %dma_start3A_417 = arith.constant 3 : i32
          %dma_start3A_418 = arith.constant 0 : i32
          %dma_start3A_419 = arith.constant 0 : i32
          %dma_start3A_420 = tpu.memref_slice %arg13[%dma_start3A_416, %dma_start3A_418, %dma_start3A_419] : memref<4x128x16xf32, #tpu.memory_space<vmem>> -> memref<1x128x16xf32, #tpu.memory_space<vmem>>
          %dma_start3A_421 = tpu.memref_squeeze %dma_start3A_420 : memref<1x128x16xf32, #tpu.memory_space<vmem>> -> memref<128x16xf32, #tpu.memory_space<vmem>>
          %dma_start3A_422 = arith.constant 0 : i32
          %dma_start3A_423 = tpu.memref_slice %arg10[%add3A_397, %dma_start3A_422] : memref<160x128xi32, #tpu.memory_space<vmem>> -> memref<1x128xi32, #tpu.memory_space<vmem>>
          %dma_start3A_424 = tpu.memref_squeeze %dma_start3A_423 : memref<1x128xi32, #tpu.memory_space<vmem>> -> memref<128xi32, #tpu.memory_space<vmem>>
          %dma_start3A_425 = arith.constant 0 : i32
          %dma_start3A_426 = arith.constant 0 : i32
          %dma_start3A_427 = tpu.memref_slice %arg14[%dma_start3A_425, %dma_start3A_426] : memref<80128x16xf32, #tpu.memory_space<vmem_shared>> -> memref<80128x16xf32, #tpu.memory_space<vmem_shared>>
          %dma_start3A_428 = tpu.memref_slice %arg16[%dma_start3A_417] : memref<4x!tpu.dma_semaphore, #tpu.memory_space<semaphore_mem>> -> memref<1x!tpu.dma_semaphore, #tpu.memory_space<semaphore_mem>>
          %dma_start3A_429 = tpu.memref_squeeze %dma_start3A_428 : memref<1x!tpu.dma_semaphore, #tpu.memory_space<semaphore_mem>> -> memref<!tpu.dma_semaphore, #tpu.memory_space<semaphore_mem>>
          tpu.enqueue_indirect_dma source(%dma_start3A_421 : memref<128x16xf32, #tpu.memory_space<vmem>>) target(%dma_start3A_427 : memref<80128x16xf32, #tpu.memory_space<vmem_shared>>) offsets(%dma_start3A_424 : memref<128xi32, #tpu.memory_space<vmem>>) semaphore(%dma_start3A_429 : memref<!tpu.dma_semaphore, #tpu.memory_space<semaphore_mem>>) {add = true}
          %ge3A_430 = arith.constant 2 : i32
          %ge3A_431 = arith.cmpi sge, %add3A_397, %ge3A_430 : i32
          %convert_element_type3A_432 = arith.extui %ge3A_431 : i1 to i32
          %cond3A_433 = arith.constant 0 : i32
          %cond3A_434 = arith.cmpi ne, %convert_element_type3A_432, %cond3A_433 : i32
          scf.if %cond3A_434 {
            %dma_wait3A_452 = arith.constant 1 : i32
            %dma_wait3A_453 = arith.constant 1 : i32
            %dma_wait3A_454 = arith.constant 0 : i32
            %dma_wait3A_455 = arith.constant 0 : i32
            %dma_wait3A_456 = tpu.memref_slice %arg13[%dma_wait3A_452, %dma_wait3A_454, %dma_wait3A_455] : memref<4x128x16xf32, #tpu.memory_space<vmem>> -> memref<1x128x16xf32, #tpu.memory_space<vmem>>
            %dma_wait3A_457 = tpu.memref_squeeze %dma_wait3A_456 : memref<1x128x16xf32, #tpu.memory_space<vmem>> -> memref<128x16xf32, #tpu.memory_space<vmem>>
            %dma_wait3A_458 = arith.constant 0 : i32
            %dma_wait3A_459 = arith.constant 0 : i32
            %dma_wait3A_460 = tpu.memref_slice %arg5[%dma_wait3A_458, %dma_wait3A_459] : memref<80000x16xf32, #tpu.memory_space<hbm>> -> memref<128x16xf32, #tpu.memory_space<hbm>>
            %dma_wait3A_461 = tpu.memref_slice %arg16[%dma_wait3A_453] : memref<4x!tpu.dma_semaphore, #tpu.memory_space<semaphore_mem>> -> memref<1x!tpu.dma_semaphore, #tpu.memory_space<semaphore_mem>>
            %dma_wait3A_462 = tpu.memref_squeeze %dma_wait3A_461 : memref<1x!tpu.dma_semaphore, #tpu.memory_space<semaphore_mem>> -> memref<!tpu.dma_semaphore, #tpu.memory_space<semaphore_mem>>
            %dma_wait3A_463 = arith.constant 0 : i32
            %dma_wait3A_464 = arith.constant 0 : i32
            %dma_wait3A_465 = tpu.memref_slice %arg13[%dma_wait3A_452, %dma_wait3A_463, %dma_wait3A_464] : memref<4x128x16xf32, #tpu.memory_space<vmem>> -> memref<1x128x16xf32, #tpu.memory_space<vmem>>
            %dma_wait3A_466 = tpu.memref_squeeze %dma_wait3A_465 : memref<1x128x16xf32, #tpu.memory_space<vmem>> -> memref<128x16xf32, #tpu.memory_space<vmem>>
            %dma_wait3A_467 = arith.constant 0 : i32
            %dma_wait3A_468 = arith.constant 0 : i32
            %dma_wait3A_469 = tpu.memref_slice %arg5[%dma_wait3A_467, %dma_wait3A_468] : memref<80000x16xf32, #tpu.memory_space<hbm>> -> memref<128x16xf32, #tpu.memory_space<hbm>>
            tpu.wait_dma2 semaphore(%dma_wait3A_462 : memref<!tpu.dma_semaphore, #tpu.memory_space<semaphore_mem>>) src(%dma_wait3A_469 : memref<128x16xf32, #tpu.memory_space<hbm>>) dst(%dma_wait3A_466 : memref<128x16xf32, #tpu.memory_space<vmem>>)
          } else {
          }
          %add3A_435 = arith.constant 2 : i32
          %add3A_436 = arith.addi %add3A_397, %add3A_435 : i32
          %mul3A_437 = arith.constant 128 : i32
          %mul3A_438 = arith.muli %add3A_436, %mul3A_437 : i32
          %dma_start3A_439 = arith.constant 1 : i32
          %dma_start3A_440 = arith.constant 1 : i32
          %dma_start3A_441 = arith.constant 0 : i32
          %dma_start3A_442 = arith.constant 0 : i32
          %dma_start3A_443 = tpu.memref_slice %arg13[%dma_start3A_439, %dma_start3A_441, %dma_start3A_442] : memref<4x128x16xf32, #tpu.memory_space<vmem>> -> memref<1x128x16xf32, #tpu.memory_space<vmem>>
          %dma_start3A_444 = tpu.memref_squeeze %dma_start3A_443 : memref<1x128x16xf32, #tpu.memory_space<vmem>> -> memref<128x16xf32, #tpu.memory_space<vmem>>
          %dma_start3A_445 = tpu.memref_slice %arg9[%mul3A_438] : memref<20736xi32, #tpu.memory_space<vmem>> -> memref<128xi32, #tpu.memory_space<vmem>>
          %dma_start3A_446 = arith.constant 0 : i32
          %dma_start3A_447 = arith.constant 0 : i32
          %dma_start3A_448 = tpu.memref_slice %arg5[%dma_start3A_446, %dma_start3A_447] : memref<80000x16xf32, #tpu.memory_space<hbm>> -> memref<80000x16xf32, #tpu.memory_space<hbm>>
          %dma_start3A_449 = tpu.memref_slice %arg15[%dma_start3A_440] : memref<4x!tpu.dma_semaphore, #tpu.memory_space<semaphore_mem>> -> memref<1x!tpu.dma_semaphore, #tpu.memory_space<semaphore_mem>>
          %dma_start3A_450 = tpu.memref_squeeze %dma_start3A_449 : memref<1x!tpu.dma_semaphore, #tpu.memory_space<semaphore_mem>> -> memref<!tpu.dma_semaphore, #tpu.memory_space<semaphore_mem>>
          tpu.enqueue_indirect_dma source(%dma_start3A_448 : memref<80000x16xf32, #tpu.memory_space<hbm>>) target(%dma_start3A_444 : memref<128x16xf32, #tpu.memory_space<vmem>>) offsets(%dma_start3A_445 : memref<128xi32, #tpu.memory_space<vmem>>) semaphore(%dma_start3A_450 : memref<!tpu.dma_semaphore, #tpu.memory_space<semaphore_mem>>)
          %scan3A_451 = arith.constant 0 : i32
          scf.yield %scan3A_451 : i32
        }
        %scan3A_151 = arith.constant 40 : i32
        %dma_wait3A = arith.constant 0 : i32
        %dma_wait3A_152 = arith.constant 0 : i32
        %dma_wait3A_153 = arith.constant 0 : i32
        %dma_wait3A_154 = arith.constant 0 : i32
        %dma_wait3A_155 = tpu.memref_slice %arg13[%dma_wait3A, %dma_wait3A_153, %dma_wait3A_154] : memref<4x128x16xf32, #tpu.memory_space<vmem>> -> memref<1x128x16xf32, #tpu.memory_space<vmem>>
        %dma_wait3A_156 = tpu.memref_squeeze %dma_wait3A_155 : memref<1x128x16xf32, #tpu.memory_space<vmem>> -> memref<128x16xf32, #tpu.memory_space<vmem>>
        %dma_wait3A_157 = arith.constant 0 : i32
        %dma_wait3A_158 = arith.constant 0 : i32
        %dma_wait3A_159 = tpu.memref_slice %arg5[%dma_wait3A_157, %dma_wait3A_158] : memref<80000x16xf32, #tpu.memory_space<hbm>> -> memref<128x16xf32, #tpu.memory_space<hbm>>
        %dma_wait3A_160 = tpu.memref_slice %arg15[%dma_wait3A_152] : memref<4x!tpu.dma_semaphore, #tpu.memory_space<semaphore_mem>> -> memref<1x!tpu.dma_semaphore, #tpu.memory_space<semaphore_mem>>
        %dma_wait3A_161 = tpu.memref_squeeze %dma_wait3A_160 : memref<1x!tpu.dma_semaphore, #tpu.memory_space<semaphore_mem>> -> memref<!tpu.dma_semaphore, #tpu.memory_space<semaphore_mem>>
        %dma_wait3A_162 = arith.constant 0 : i32
        %dma_wait3A_163 = arith.constant 0 : i32
        %dma_wait3A_164 = tpu.memref_slice %arg13[%dma_wait3A, %dma_wait3A_162, %dma_wait3A_163] : memref<4x128x16xf32, #tpu.memory_space<vmem>> -> memref<1x128x16xf32, #tpu.memory_space<vmem>>
        %dma_wait3A_165 = tpu.memref_squeeze %dma_wait3A_164 : memref<1x128x16xf32, #tpu.memory_space<vmem>> -> memref<128x16xf32, #tpu.memory_space<vmem>>
        %dma_wait3A_166 = arith.constant 0 : i32
        %dma_wait3A_167 = arith.constant 0 : i32
        %dma_wait3A_168 = tpu.memref_slice %arg5[%dma_wait3A_166, %dma_wait3A_167] : memref<80000x16xf32, #tpu.memory_space<hbm>> -> memref<128x16xf32, #tpu.memory_space<hbm>>
        tpu.wait_dma2 semaphore(%dma_wait3A_161 : memref<!tpu.dma_semaphore, #tpu.memory_space<semaphore_mem>>) src(%dma_wait3A_168 : memref<128x16xf32, #tpu.memory_space<hbm>>) dst(%dma_wait3A_165 : memref<128x16xf32, #tpu.memory_space<vmem>>)
        %dma_wait3A_169 = arith.constant 1 : i32
        %dma_wait3A_170 = arith.constant 1 : i32
        %dma_wait3A_171 = arith.constant 0 : i32
        %dma_wait3A_172 = arith.constant 0 : i32
        %dma_wait3A_173 = tpu.memref_slice %arg13[%dma_wait3A_169, %dma_wait3A_171, %dma_wait3A_172] : memref<4x128x16xf32, #tpu.memory_space<vmem>> -> memref<1x128x16xf32, #tpu.memory_space<vmem>>
        %dma_wait3A_174 = tpu.memref_squeeze %dma_wait3A_173 : memref<1x128x16xf32, #tpu.memory_space<vmem>> -> memref<128x16xf32, #tpu.memory_space<vmem>>
        %dma_wait3A_175 = arith.constant 0 : i32
        %dma_wait3A_176 = arith.constant 0 : i32
        %dma_wait3A_177 = tpu.memref_slice %arg5[%dma_wait3A_175, %dma_wait3A_176] : memref<80000x16xf32, #tpu.memory_space<hbm>> -> memref<128x16xf32, #tpu.memory_space<hbm>>
        %dma_wait3A_178 = tpu.memref_slice %arg15[%dma_wait3A_170] : memref<4x!tpu.dma_semaphore, #tpu.memory_space<semaphore_mem>> -> memref<1x!tpu.dma_semaphore, #tpu.memory_space<semaphore_mem>>
        %dma_wait3A_179 = tpu.memref_squeeze %dma_wait3A_178 : memref<1x!tpu.dma_semaphore, #tpu.memory_space<semaphore_mem>> -> memref<!tpu.dma_semaphore, #tpu.memory_space<semaphore_mem>>
        %dma_wait3A_180 = arith.constant 0 : i32
        %dma_wait3A_181 = arith.constant 0 : i32
        %dma_wait3A_182 = tpu.memref_slice %arg13[%dma_wait3A_169, %dma_wait3A_180, %dma_wait3A_181] : memref<4x128x16xf32, #tpu.memory_space<vmem>> -> memref<1x128x16xf32, #tpu.memory_space<vmem>>
        %dma_wait3A_183 = tpu.memref_squeeze %dma_wait3A_182 : memref<1x128x16xf32, #tpu.memory_space<vmem>> -> memref<128x16xf32, #tpu.memory_space<vmem>>
        %dma_wait3A_184 = arith.constant 0 : i32
        %dma_wait3A_185 = arith.constant 0 : i32
        %dma_wait3A_186 = tpu.memref_slice %arg5[%dma_wait3A_184, %dma_wait3A_185] : memref<80000x16xf32, #tpu.memory_space<hbm>> -> memref<128x16xf32, #tpu.memory_space<hbm>>
        tpu.wait_dma2 semaphore(%dma_wait3A_179 : memref<!tpu.dma_semaphore, #tpu.memory_space<semaphore_mem>>) src(%dma_wait3A_186 : memref<128x16xf32, #tpu.memory_space<hbm>>) dst(%dma_wait3A_183 : memref<128x16xf32, #tpu.memory_space<vmem>>)
        %dma_wait3A_187 = arith.constant 2 : i32
        %dma_wait3A_188 = arith.constant 2 : i32
        %dma_wait3A_189 = arith.constant 0 : i32
        %dma_wait3A_190 = arith.constant 0 : i32
        %dma_wait3A_191 = tpu.memref_slice %arg13[%dma_wait3A_187, %dma_wait3A_189, %dma_wait3A_190] : memref<4x128x16xf32, #tpu.memory_space<vmem>> -> memref<1x128x16xf32, #tpu.memory_space<vmem>>
        %dma_wait3A_192 = tpu.memref_squeeze %dma_wait3A_191 : memref<1x128x16xf32, #tpu.memory_space<vmem>> -> memref<128x16xf32, #tpu.memory_space<vmem>>
        %dma_wait3A_193 = arith.constant 0 : i32
        %dma_wait3A_194 = arith.constant 0 : i32
        %dma_wait3A_195 = tpu.memref_slice %arg5[%dma_wait3A_193, %dma_wait3A_194] : memref<80000x16xf32, #tpu.memory_space<hbm>> -> memref<128x16xf32, #tpu.memory_space<hbm>>
        %dma_wait3A_196 = tpu.memref_slice %arg16[%dma_wait3A_188] : memref<4x!tpu.dma_semaphore, #tpu.memory_space<semaphore_mem>> -> memref<1x!tpu.dma_semaphore, #tpu.memory_space<semaphore_mem>>
        %dma_wait3A_197 = tpu.memref_squeeze %dma_wait3A_196 : memref<1x!tpu.dma_semaphore, #tpu.memory_space<semaphore_mem>> -> memref<!tpu.dma_semaphore, #tpu.memory_space<semaphore_mem>>
        %dma_wait3A_198 = arith.constant 0 : i32
        %dma_wait3A_199 = arith.constant 0 : i32
        %dma_wait3A_200 = tpu.memref_slice %arg13[%dma_wait3A_187, %dma_wait3A_198, %dma_wait3A_199] : memref<4x128x16xf32, #tpu.memory_space<vmem>> -> memref<1x128x16xf32, #tpu.memory_space<vmem>>
        %dma_wait3A_201 = tpu.memref_squeeze %dma_wait3A_200 : memref<1x128x16xf32, #tpu.memory_space<vmem>> -> memref<128x16xf32, #tpu.memory_space<vmem>>
        %dma_wait3A_202 = arith.constant 0 : i32
        %dma_wait3A_203 = arith.constant 0 : i32
        %dma_wait3A_204 = tpu.memref_slice %arg5[%dma_wait3A_202, %dma_wait3A_203] : memref<80000x16xf32, #tpu.memory_space<hbm>> -> memref<128x16xf32, #tpu.memory_space<hbm>>
        tpu.wait_dma2 semaphore(%dma_wait3A_197 : memref<!tpu.dma_semaphore, #tpu.memory_space<semaphore_mem>>) src(%dma_wait3A_204 : memref<128x16xf32, #tpu.memory_space<hbm>>) dst(%dma_wait3A_201 : memref<128x16xf32, #tpu.memory_space<vmem>>)
        %dma_wait3A_205 = arith.constant 3 : i32
        %dma_wait3A_206 = arith.constant 3 : i32
        %dma_wait3A_207 = arith.constant 0 : i32
        %dma_wait3A_208 = arith.constant 0 : i32
        %dma_wait3A_209 = tpu.memref_slice %arg13[%dma_wait3A_205, %dma_wait3A_207, %dma_wait3A_208] : memref<4x128x16xf32, #tpu.memory_space<vmem>> -> memref<1x128x16xf32, #tpu.memory_space<vmem>>
        %dma_wait3A_210 = tpu.memref_squeeze %dma_wait3A_209 : memref<1x128x16xf32, #tpu.memory_space<vmem>> -> memref<128x16xf32, #tpu.memory_space<vmem>>
        %dma_wait3A_211 = arith.constant 0 : i32
        %dma_wait3A_212 = arith.constant 0 : i32
        %dma_wait3A_213 = tpu.memref_slice %arg5[%dma_wait3A_211, %dma_wait3A_212] : memref<80000x16xf32, #tpu.memory_space<hbm>> -> memref<128x16xf32, #tpu.memory_space<hbm>>
        %dma_wait3A_214 = tpu.memref_slice %arg16[%dma_wait3A_206] : memref<4x!tpu.dma_semaphore, #tpu.memory_space<semaphore_mem>> -> memref<1x!tpu.dma_semaphore, #tpu.memory_space<semaphore_mem>>
        %dma_wait3A_215 = tpu.memref_squeeze %dma_wait3A_214 : memref<1x!tpu.dma_semaphore, #tpu.memory_space<semaphore_mem>> -> memref<!tpu.dma_semaphore, #tpu.memory_space<semaphore_mem>>
        %dma_wait3A_216 = arith.constant 0 : i32
        %dma_wait3A_217 = arith.constant 0 : i32
        %dma_wait3A_218 = tpu.memref_slice %arg13[%dma_wait3A_205, %dma_wait3A_216, %dma_wait3A_217] : memref<4x128x16xf32, #tpu.memory_space<vmem>> -> memref<1x128x16xf32, #tpu.memory_space<vmem>>
        %dma_wait3A_219 = tpu.memref_squeeze %dma_wait3A_218 : memref<1x128x16xf32, #tpu.memory_space<vmem>> -> memref<128x16xf32, #tpu.memory_space<vmem>>
        %dma_wait3A_220 = arith.constant 0 : i32
        %dma_wait3A_221 = arith.constant 0 : i32
        %dma_wait3A_222 = tpu.memref_slice %arg5[%dma_wait3A_220, %dma_wait3A_221] : memref<80000x16xf32, #tpu.memory_space<hbm>> -> memref<128x16xf32, #tpu.memory_space<hbm>>
        tpu.wait_dma2 semaphore(%dma_wait3A_215 : memref<!tpu.dma_semaphore, #tpu.memory_space<semaphore_mem>>) src(%dma_wait3A_222 : memref<128x16xf32, #tpu.memory_space<hbm>>) dst(%dma_wait3A_219 : memref<128x16xf32, #tpu.memory_space<vmem>>)
      } else {
      }
      %eq3A = arith.constant 4 : i32
      %eq3A_103 = arith.cmpi eq, %scan3A_89, %eq3A : i32
      %convert_element_type3A_104 = arith.extui %eq3A_103 : i1 to i32
      %cond3A_105 = arith.constant 0 : i32
      %cond3A_106 = arith.cmpi ne, %convert_element_type3A_104, %cond3A_105 : i32
      scf.if %cond3A_106 {
        %iota3A = tpu.iota {dimensions = array<i32: 0>} : vector<16xi32>
        %eq3A_120 = arith.constant 0 : i32
        %eq3A_121 = vector.broadcast %eq3A_120 : i32 to vector<16xi32>
        %eq3A_122 = arith.cmpi eq, %iota3A, %eq3A_121 : vector<16xi32>
        %jit3A = arith.constant 1.000000e+00 : f32
        %jit3A_123 = arith.constant 0.000000e+00 : f32
        %broadcast_in_dim3A_124 = vector.broadcast %jit3A : f32 to vector<16xf32>
        %broadcast_in_dim3A_125 = vector.broadcast %jit3A_123 : f32 to vector<16xf32>
        %select_n3A = arith.select %eq3A_122, %broadcast_in_dim3A_124, %broadcast_in_dim3A_125 : vector<16xi1>, vector<16xf32>
        %scan3A_126 = arith.constant 0 : i32
        %scan3A_127 = arith.constant 0 : i32
        %scan3A_128 = arith.constant 128 : i32
        %scan3A_129 = arith.addi %scan3A_127, %scan3A_128 : i32
        %scan3A_130 = arith.constant 1 : i32
        %scan3A_131 = scf.for %scan3A_142 = %scan3A_127 to %scan3A_129 step %scan3A_130 iter_args(%scan3A_143 = %scan3A_126) -> (i32)  : i32 {
          %swap3A_144 = arith.constant 0 : i32
          %swap3A_145 = arith.index_cast %swap3A_144 : i32 to index
          %swap3A_146 = arith.index_cast %scan3A_142 : i32 to index
          %swap3A_147 = arith.constant 0 : index
          %swap3A_148 = tpu.vector_load %arg13[%swap3A_145, %swap3A_146, %swap3A_147] {strides = array<i32>} : memref<4x128x16xf32, #tpu.memory_space<vmem>>, vector<1x1x16xf32>,
          %swap3A_149 = vector.shape_cast %swap3A_148 : vector<1x1x16xf32> to vector<16xf32>
          %swap3A_150 = vector.shape_cast %select_n3A : vector<16xf32> to vector<1x1x16xf32>
          tpu.vector_store %arg13[%swap3A_145, %swap3A_146, %swap3A_147], %swap3A_150 {strides = array<i32>} : memref<4x128x16xf32, #tpu.memory_space<vmem>>, vector<1x1x16xf32>,
          %scan3A_151 = arith.constant 0 : i32
          scf.yield %scan3A_151 : i32
        }
        %scan3A_132 = arith.constant 128 : i32
        %mul3A_133 = arith.constant 80 : i32
        %mul3A_134 = arith.muli %arg0, %mul3A_133 : i32
        %scan3A_135 = arith.constant 0 : i32
        %scan3A_136 = arith.constant 0 : i32
        %scan3A_137 = arith.constant 20 : i32
        %scan3A_138 = arith.addi %scan3A_136, %scan3A_137 : i32
        %scan3A_139 = arith.constant 1 : i32
        %scan3A_140 = scf.for %scan3A_142 = %scan3A_136 to %scan3A_138 step %scan3A_139 iter_args(%scan3A_143 = %scan3A_135) -> (i32)  : i32 {
          %mul3A_144 = arith.constant 4 : i32
          %mul3A_145 = arith.muli %mul3A_144, %scan3A_142 : i32
          %add3A = arith.addi %mul3A_134, %mul3A_145 : i32
          %add3A_146 = arith.constant 0 : i32
          %add3A_147 = arith.addi %add3A, %add3A_146 : i32
          %dma_start3A = arith.constant 0 : i32
          %dma_start3A_148 = arith.constant 0 : i32
          %dma_start3A_149 = arith.constant 0 : i32
          %dma_start3A_150 = arith.constant 0 : i32
          %dma_start3A_151 = tpu.memref_slice %arg13[%dma_start3A, %dma_start3A_149, %dma_start3A_150] : memref<4x128x16xf32, #tpu.memory_space<vmem>> -> memref<1x128x16xf32, #tpu.memory_space<vmem>>
          %dma_start3A_152 = tpu.memref_squeeze %dma_start3A_151 : memref<1x128x16xf32, #tpu.memory_space<vmem>> -> memref<128x16xf32, #tpu.memory_space<vmem>>
          %dma_start3A_153 = arith.constant 0 : i32
          %dma_start3A_154 = tpu.memref_slice %arg10[%add3A_147, %dma_start3A_153] : memref<160x128xi32, #tpu.memory_space<vmem>> -> memref<1x128xi32, #tpu.memory_space<vmem>>
          %dma_start3A_155 = tpu.memref_squeeze %dma_start3A_154 : memref<1x128xi32, #tpu.memory_space<vmem>> -> memref<128xi32, #tpu.memory_space<vmem>>
          %dma_start3A_156 = arith.constant 0 : i32
          %dma_start3A_157 = arith.constant 0 : i32
          %dma_start3A_158 = tpu.memref_slice %arg14[%dma_start3A_156, %dma_start3A_157] : memref<80128x16xf32, #tpu.memory_space<vmem_shared>> -> memref<80128x16xf32, #tpu.memory_space<vmem_shared>>
          %dma_start3A_159 = tpu.memref_slice %arg16[%dma_start3A_148] : memref<4x!tpu.dma_semaphore, #tpu.memory_space<semaphore_mem>> -> memref<1x!tpu.dma_semaphore, #tpu.memory_space<semaphore_mem>>
          %dma_start3A_160 = tpu.memref_squeeze %dma_start3A_159 : memref<1x!tpu.dma_semaphore, #tpu.memory_space<semaphore_mem>> -> memref<!tpu.dma_semaphore, #tpu.memory_space<semaphore_mem>>
          tpu.enqueue_indirect_dma source(%dma_start3A_152 : memref<128x16xf32, #tpu.memory_space<vmem>>) target(%dma_start3A_158 : memref<80128x16xf32, #tpu.memory_space<vmem_shared>>) offsets(%dma_start3A_155 : memref<128xi32, #tpu.memory_space<vmem>>) semaphore(%dma_start3A_160 : memref<!tpu.dma_semaphore, #tpu.memory_space<semaphore_mem>>) {add = true}
          %mul3A_161 = arith.constant 4 : i32
          %mul3A_162 = arith.muli %mul3A_161, %scan3A_142 : i32
          %add3A_163 = arith.addi %mul3A_134, %mul3A_162 : i32
          %add3A_164 = arith.constant 1 : i32
          %add3A_165 = arith.addi %add3A_163, %add3A_164 : i32
          %dma_start3A_166 = arith.constant 0 : i32
          %dma_start3A_167 = arith.constant 1 : i32
          %dma_start3A_168 = arith.constant 0 : i32
          %dma_start3A_169 = arith.constant 0 : i32
          %dma_start3A_170 = tpu.memref_slice %arg13[%dma_start3A_166, %dma_start3A_168, %dma_start3A_169] : memref<4x128x16xf32, #tpu.memory_space<vmem>> -> memref<1x128x16xf32, #tpu.memory_space<vmem>>
          %dma_start3A_171 = tpu.memref_squeeze %dma_start3A_170 : memref<1x128x16xf32, #tpu.memory_space<vmem>> -> memref<128x16xf32, #tpu.memory_space<vmem>>
          %dma_start3A_172 = arith.constant 0 : i32
          %dma_start3A_173 = tpu.memref_slice %arg10[%add3A_165, %dma_start3A_172] : memref<160x128xi32, #tpu.memory_space<vmem>> -> memref<1x128xi32, #tpu.memory_space<vmem>>
          %dma_start3A_174 = tpu.memref_squeeze %dma_start3A_173 : memref<1x128xi32, #tpu.memory_space<vmem>> -> memref<128xi32, #tpu.memory_space<vmem>>
          %dma_start3A_175 = arith.constant 0 : i32
          %dma_start3A_176 = arith.constant 0 : i32
          %dma_start3A_177 = tpu.memref_slice %arg14[%dma_start3A_175, %dma_start3A_176] : memref<80128x16xf32, #tpu.memory_space<vmem_shared>> -> memref<80128x16xf32, #tpu.memory_space<vmem_shared>>
          %dma_start3A_178 = tpu.memref_slice %arg16[%dma_start3A_167] : memref<4x!tpu.dma_semaphore, #tpu.memory_space<semaphore_mem>> -> memref<1x!tpu.dma_semaphore, #tpu.memory_space<semaphore_mem>>
          %dma_start3A_179 = tpu.memref_squeeze %dma_start3A_178 : memref<1x!tpu.dma_semaphore, #tpu.memory_space<semaphore_mem>> -> memref<!tpu.dma_semaphore, #tpu.memory_space<semaphore_mem>>
          tpu.enqueue_indirect_dma source(%dma_start3A_171 : memref<128x16xf32, #tpu.memory_space<vmem>>) target(%dma_start3A_177 : memref<80128x16xf32, #tpu.memory_space<vmem_shared>>) offsets(%dma_start3A_174 : memref<128xi32, #tpu.memory_space<vmem>>) semaphore(%dma_start3A_179 : memref<!tpu.dma_semaphore, #tpu.memory_space<semaphore_mem>>) {add = true}
          %mul3A_180 = arith.constant 4 : i32
          %mul3A_181 = arith.muli %mul3A_180, %scan3A_142 : i32
          %add3A_182 = arith.addi %mul3A_134, %mul3A_181 : i32
          %add3A_183 = arith.constant 2 : i32
          %add3A_184 = arith.addi %add3A_182, %add3A_183 : i32
          %dma_start3A_185 = arith.constant 0 : i32
          %dma_start3A_186 = arith.constant 2 : i32
          %dma_start3A_187 = arith.constant 0 : i32
          %dma_start3A_188 = arith.constant 0 : i32
          %dma_start3A_189 = tpu.memref_slice %arg13[%dma_start3A_185, %dma_start3A_187, %dma_start3A_188] : memref<4x128x16xf32, #tpu.memory_space<vmem>> -> memref<1x128x16xf32, #tpu.memory_space<vmem>>
          %dma_start3A_190 = tpu.memref_squeeze %dma_start3A_189 : memref<1x128x16xf32, #tpu.memory_space<vmem>> -> memref<128x16xf32, #tpu.memory_space<vmem>>
          %dma_start3A_191 = arith.constant 0 : i32
          %dma_start3A_192 = tpu.memref_slice %arg10[%add3A_184, %dma_start3A_191] : memref<160x128xi32, #tpu.memory_space<vmem>> -> memref<1x128xi32, #tpu.memory_space<vmem>>
          %dma_start3A_193 = tpu.memref_squeeze %dma_start3A_192 : memref<1x128xi32, #tpu.memory_space<vmem>> -> memref<128xi32, #tpu.memory_space<vmem>>
          %dma_start3A_194 = arith.constant 0 : i32
          %dma_start3A_195 = arith.constant 0 : i32
          %dma_start3A_196 = tpu.memref_slice %arg14[%dma_start3A_194, %dma_start3A_195] : memref<80128x16xf32, #tpu.memory_space<vmem_shared>> -> memref<80128x16xf32, #tpu.memory_space<vmem_shared>>
          %dma_start3A_197 = tpu.memref_slice %arg16[%dma_start3A_186] : memref<4x!tpu.dma_semaphore, #tpu.memory_space<semaphore_mem>> -> memref<1x!tpu.dma_semaphore, #tpu.memory_space<semaphore_mem>>
          %dma_start3A_198 = tpu.memref_squeeze %dma_start3A_197 : memref<1x!tpu.dma_semaphore, #tpu.memory_space<semaphore_mem>> -> memref<!tpu.dma_semaphore, #tpu.memory_space<semaphore_mem>>
          tpu.enqueue_indirect_dma source(%dma_start3A_190 : memref<128x16xf32, #tpu.memory_space<vmem>>) target(%dma_start3A_196 : memref<80128x16xf32, #tpu.memory_space<vmem_shared>>) offsets(%dma_start3A_193 : memref<128xi32, #tpu.memory_space<vmem>>) semaphore(%dma_start3A_198 : memref<!tpu.dma_semaphore, #tpu.memory_space<semaphore_mem>>) {add = true}
          %mul3A_199 = arith.constant 4 : i32
          %mul3A_200 = arith.muli %mul3A_199, %scan3A_142 : i32
          %add3A_201 = arith.addi %mul3A_134, %mul3A_200 : i32
          %add3A_202 = arith.constant 3 : i32
          %add3A_203 = arith.addi %add3A_201, %add3A_202 : i32
          %dma_start3A_204 = arith.constant 0 : i32
          %dma_start3A_205 = arith.constant 3 : i32
          %dma_start3A_206 = arith.constant 0 : i32
          %dma_start3A_207 = arith.constant 0 : i32
          %dma_start3A_208 = tpu.memref_slice %arg13[%dma_start3A_204, %dma_start3A_206, %dma_start3A_207] : memref<4x128x16xf32, #tpu.memory_space<vmem>> -> memref<1x128x16xf32, #tpu.memory_space<vmem>>
          %dma_start3A_209 = tpu.memref_squeeze %dma_start3A_208 : memref<1x128x16xf32, #tpu.memory_space<vmem>> -> memref<128x16xf32, #tpu.memory_space<vmem>>
          %dma_start3A_210 = arith.constant 0 : i32
          %dma_start3A_211 = tpu.memref_slice %arg10[%add3A_203, %dma_start3A_210] : memref<160x128xi32, #tpu.memory_space<vmem>> -> memref<1x128xi32, #tpu.memory_space<vmem>>
          %dma_start3A_212 = tpu.memref_squeeze %dma_start3A_211 : memref<1x128xi32, #tpu.memory_space<vmem>> -> memref<128xi32, #tpu.memory_space<vmem>>
          %dma_start3A_213 = arith.constant 0 : i32
          %dma_start3A_214 = arith.constant 0 : i32
          %dma_start3A_215 = tpu.memref_slice %arg14[%dma_start3A_213, %dma_start3A_214] : memref<80128x16xf32, #tpu.memory_space<vmem_shared>> -> memref<80128x16xf32, #tpu.memory_space<vmem_shared>>
          %dma_start3A_216 = tpu.memref_slice %arg16[%dma_start3A_205] : memref<4x!tpu.dma_semaphore, #tpu.memory_space<semaphore_mem>> -> memref<1x!tpu.dma_semaphore, #tpu.memory_space<semaphore_mem>>
          %dma_start3A_217 = tpu.memref_squeeze %dma_start3A_216 : memref<1x!tpu.dma_semaphore, #tpu.memory_space<semaphore_mem>> -> memref<!tpu.dma_semaphore, #tpu.memory_space<semaphore_mem>>
          tpu.enqueue_indirect_dma source(%dma_start3A_209 : memref<128x16xf32, #tpu.memory_space<vmem>>) target(%dma_start3A_215 : memref<80128x16xf32, #tpu.memory_space<vmem_shared>>) offsets(%dma_start3A_212 : memref<128xi32, #tpu.memory_space<vmem>>) semaphore(%dma_start3A_217 : memref<!tpu.dma_semaphore, #tpu.memory_space<semaphore_mem>>) {add = true}
          %dma_wait3A = arith.constant 0 : i32
          %dma_wait3A_218 = arith.constant 0 : i32
          %dma_wait3A_219 = arith.constant 0 : i32
          %dma_wait3A_220 = arith.constant 0 : i32
          %dma_wait3A_221 = tpu.memref_slice %arg13[%dma_wait3A, %dma_wait3A_219, %dma_wait3A_220] : memref<4x128x16xf32, #tpu.memory_space<vmem>> -> memref<1x128x16xf32, #tpu.memory_space<vmem>>
          %dma_wait3A_222 = tpu.memref_squeeze %dma_wait3A_221 : memref<1x128x16xf32, #tpu.memory_space<vmem>> -> memref<128x16xf32, #tpu.memory_space<vmem>>
          %dma_wait3A_223 = arith.constant 0 : i32
          %dma_wait3A_224 = arith.constant 0 : i32
          %dma_wait3A_225 = tpu.memref_slice %arg5[%dma_wait3A_223, %dma_wait3A_224] : memref<80000x16xf32, #tpu.memory_space<hbm>> -> memref<128x16xf32, #tpu.memory_space<hbm>>
          %dma_wait3A_226 = tpu.memref_slice %arg16[%dma_wait3A_218] : memref<4x!tpu.dma_semaphore, #tpu.memory_space<semaphore_mem>> -> memref<1x!tpu.dma_semaphore, #tpu.memory_space<semaphore_mem>>
          %dma_wait3A_227 = tpu.memref_squeeze %dma_wait3A_226 : memref<1x!tpu.dma_semaphore, #tpu.memory_space<semaphore_mem>> -> memref<!tpu.dma_semaphore, #tpu.memory_space<semaphore_mem>>
          %dma_wait3A_228 = arith.constant 0 : i32
          %dma_wait3A_229 = arith.constant 0 : i32
          %dma_wait3A_230 = tpu.memref_slice %arg13[%dma_wait3A, %dma_wait3A_228, %dma_wait3A_229] : memref<4x128x16xf32, #tpu.memory_space<vmem>> -> memref<1x128x16xf32, #tpu.memory_space<vmem>>
          %dma_wait3A_231 = tpu.memref_squeeze %dma_wait3A_230 : memref<1x128x16xf32, #tpu.memory_space<vmem>> -> memref<128x16xf32, #tpu.memory_space<vmem>>
          %dma_wait3A_232 = arith.constant 0 : i32
          %dma_wait3A_233 = arith.constant 0 : i32
          %dma_wait3A_234 = tpu.memref_slice %arg5[%dma_wait3A_232, %dma_wait3A_233] : memref<80000x16xf32, #tpu.memory_space<hbm>> -> memref<128x16xf32, #tpu.memory_space<hbm>>
          tpu.wait_dma2 semaphore(%dma_wait3A_227 : memref<!tpu.dma_semaphore, #tpu.memory_space<semaphore_mem>>) src(%dma_wait3A_234 : memref<128x16xf32, #tpu.memory_space<hbm>>) dst(%dma_wait3A_231 : memref<128x16xf32, #tpu.memory_space<vmem>>)
          %dma_wait3A_235 = arith.constant 1 : i32
          %dma_wait3A_236 = arith.constant 1 : i32
          %dma_wait3A_237 = arith.constant 0 : i32
          %dma_wait3A_238 = arith.constant 0 : i32
          %dma_wait3A_239 = tpu.memref_slice %arg13[%dma_wait3A_235, %dma_wait3A_237, %dma_wait3A_238] : memref<4x128x16xf32, #tpu.memory_space<vmem>> -> memref<1x128x16xf32, #tpu.memory_space<vmem>>
          %dma_wait3A_240 = tpu.memref_squeeze %dma_wait3A_239 : memref<1x128x16xf32, #tpu.memory_space<vmem>> -> memref<128x16xf32, #tpu.memory_space<vmem>>
          %dma_wait3A_241 = arith.constant 0 : i32
          %dma_wait3A_242 = arith.constant 0 : i32
          %dma_wait3A_243 = tpu.memref_slice %arg5[%dma_wait3A_241, %dma_wait3A_242] : memref<80000x16xf32, #tpu.memory_space<hbm>> -> memref<128x16xf32, #tpu.memory_space<hbm>>
          %dma_wait3A_244 = tpu.memref_slice %arg16[%dma_wait3A_236] : memref<4x!tpu.dma_semaphore, #tpu.memory_space<semaphore_mem>> -> memref<1x!tpu.dma_semaphore, #tpu.memory_space<semaphore_mem>>
          %dma_wait3A_245 = tpu.memref_squeeze %dma_wait3A_244 : memref<1x!tpu.dma_semaphore, #tpu.memory_space<semaphore_mem>> -> memref<!tpu.dma_semaphore, #tpu.memory_space<semaphore_mem>>
          %dma_wait3A_246 = arith.constant 0 : i32
          %dma_wait3A_247 = arith.constant 0 : i32
          %dma_wait3A_248 = tpu.memref_slice %arg13[%dma_wait3A_235, %dma_wait3A_246, %dma_wait3A_247] : memref<4x128x16xf32, #tpu.memory_space<vmem>> -> memref<1x128x16xf32, #tpu.memory_space<vmem>>
          %dma_wait3A_249 = tpu.memref_squeeze %dma_wait3A_248 : memref<1x128x16xf32, #tpu.memory_space<vmem>> -> memref<128x16xf32, #tpu.memory_space<vmem>>
          %dma_wait3A_250 = arith.constant 0 : i32
          %dma_wait3A_251 = arith.constant 0 : i32
          %dma_wait3A_252 = tpu.memref_slice %arg5[%dma_wait3A_250, %dma_wait3A_251] : memref<80000x16xf32, #tpu.memory_space<hbm>> -> memref<128x16xf32, #tpu.memory_space<hbm>>
          tpu.wait_dma2 semaphore(%dma_wait3A_245 : memref<!tpu.dma_semaphore, #tpu.memory_space<semaphore_mem>>) src(%dma_wait3A_252 : memref<128x16xf32, #tpu.memory_space<hbm>>) dst(%dma_wait3A_249 : memref<128x16xf32, #tpu.memory_space<vmem>>)
          %dma_wait3A_253 = arith.constant 2 : i32
          %dma_wait3A_254 = arith.constant 2 : i32
          %dma_wait3A_255 = arith.constant 0 : i32
          %dma_wait3A_256 = arith.constant 0 : i32
          %dma_wait3A_257 = tpu.memref_slice %arg13[%dma_wait3A_253, %dma_wait3A_255, %dma_wait3A_256] : memref<4x128x16xf32, #tpu.memory_space<vmem>> -> memref<1x128x16xf32, #tpu.memory_space<vmem>>
          %dma_wait3A_258 = tpu.memref_squeeze %dma_wait3A_257 : memref<1x128x16xf32, #tpu.memory_space<vmem>> -> memref<128x16xf32, #tpu.memory_space<vmem>>
          %dma_wait3A_259 = arith.constant 0 : i32
          %dma_wait3A_260 = arith.constant 0 : i32
          %dma_wait3A_261 = tpu.memref_slice %arg5[%dma_wait3A_259, %dma_wait3A_260] : memref<80000x16xf32, #tpu.memory_space<hbm>> -> memref<128x16xf32, #tpu.memory_space<hbm>>
          %dma_wait3A_262 = tpu.memref_slice %arg16[%dma_wait3A_254] : memref<4x!tpu.dma_semaphore, #tpu.memory_space<semaphore_mem>> -> memref<1x!tpu.dma_semaphore, #tpu.memory_space<semaphore_mem>>
          %dma_wait3A_263 = tpu.memref_squeeze %dma_wait3A_262 : memref<1x!tpu.dma_semaphore, #tpu.memory_space<semaphore_mem>> -> memref<!tpu.dma_semaphore, #tpu.memory_space<semaphore_mem>>
          %dma_wait3A_264 = arith.constant 0 : i32
          %dma_wait3A_265 = arith.constant 0 : i32
          %dma_wait3A_266 = tpu.memref_slice %arg13[%dma_wait3A_253, %dma_wait3A_264, %dma_wait3A_265] : memref<4x128x16xf32, #tpu.memory_space<vmem>> -> memref<1x128x16xf32, #tpu.memory_space<vmem>>
          %dma_wait3A_267 = tpu.memref_squeeze %dma_wait3A_266 : memref<1x128x16xf32, #tpu.memory_space<vmem>> -> memref<128x16xf32, #tpu.memory_space<vmem>>
          %dma_wait3A_268 = arith.constant 0 : i32
          %dma_wait3A_269 = arith.constant 0 : i32
          %dma_wait3A_270 = tpu.memref_slice %arg5[%dma_wait3A_268, %dma_wait3A_269] : memref<80000x16xf32, #tpu.memory_space<hbm>> -> memref<128x16xf32, #tpu.memory_space<hbm>>
          tpu.wait_dma2 semaphore(%dma_wait3A_263 : memref<!tpu.dma_semaphore, #tpu.memory_space<semaphore_mem>>) src(%dma_wait3A_270 : memref<128x16xf32, #tpu.memory_space<hbm>>) dst(%dma_wait3A_267 : memref<128x16xf32, #tpu.memory_space<vmem>>)
          %dma_wait3A_271 = arith.constant 3 : i32
          %dma_wait3A_272 = arith.constant 3 : i32
          %dma_wait3A_273 = arith.constant 0 : i32
          %dma_wait3A_274 = arith.constant 0 : i32
          %dma_wait3A_275 = tpu.memref_slice %arg13[%dma_wait3A_271, %dma_wait3A_273, %dma_wait3A_274] : memref<4x128x16xf32, #tpu.memory_space<vmem>> -> memref<1x128x16xf32, #tpu.memory_space<vmem>>
          %dma_wait3A_276 = tpu.memref_squeeze %dma_wait3A_275 : memref<1x128x16xf32, #tpu.memory_space<vmem>> -> memref<128x16xf32, #tpu.memory_space<vmem>>
          %dma_wait3A_277 = arith.constant 0 : i32
          %dma_wait3A_278 = arith.constant 0 : i32
          %dma_wait3A_279 = tpu.memref_slice %arg5[%dma_wait3A_277, %dma_wait3A_278] : memref<80000x16xf32, #tpu.memory_space<hbm>> -> memref<128x16xf32, #tpu.memory_space<hbm>>
          %dma_wait3A_280 = tpu.memref_slice %arg16[%dma_wait3A_272] : memref<4x!tpu.dma_semaphore, #tpu.memory_space<semaphore_mem>> -> memref<1x!tpu.dma_semaphore, #tpu.memory_space<semaphore_mem>>
          %dma_wait3A_281 = tpu.memref_squeeze %dma_wait3A_280 : memref<1x!tpu.dma_semaphore, #tpu.memory_space<semaphore_mem>> -> memref<!tpu.dma_semaphore, #tpu.memory_space<semaphore_mem>>
          %dma_wait3A_282 = arith.constant 0 : i32
          %dma_wait3A_283 = arith.constant 0 : i32
          %dma_wait3A_284 = tpu.memref_slice %arg13[%dma_wait3A_271, %dma_wait3A_282, %dma_wait3A_283] : memref<4x128x16xf32, #tpu.memory_space<vmem>> -> memref<1x128x16xf32, #tpu.memory_space<vmem>>
          %dma_wait3A_285 = tpu.memref_squeeze %dma_wait3A_284 : memref<1x128x16xf32, #tpu.memory_space<vmem>> -> memref<128x16xf32, #tpu.memory_space<vmem>>
          %dma_wait3A_286 = arith.constant 0 : i32
          %dma_wait3A_287 = arith.constant 0 : i32
          %dma_wait3A_288 = tpu.memref_slice %arg5[%dma_wait3A_286, %dma_wait3A_287] : memref<80000x16xf32, #tpu.memory_space<hbm>> -> memref<128x16xf32, #tpu.memory_space<hbm>>
          tpu.wait_dma2 semaphore(%dma_wait3A_281 : memref<!tpu.dma_semaphore, #tpu.memory_space<semaphore_mem>>) src(%dma_wait3A_288 : memref<128x16xf32, #tpu.memory_space<hbm>>) dst(%dma_wait3A_285 : memref<128x16xf32, #tpu.memory_space<vmem>>)
          %scan3A_289 = arith.constant 0 : i32
          scf.yield %scan3A_289 : i32
        }
        %scan3A_141 = arith.constant 20 : i32
      } else {
      }
      %barrier3A_107 = arith.constant 0 : index
      tpu.barrier barrier_id(%barrier3A_107)
      %eq3A_108 = arith.constant 0 : i32
      %eq3A_109 = arith.cmpi eq, %arg0, %eq3A_108 : i32
      %convert_element_type3A_110 = arith.extui %eq3A_109 : i1 to i32
      %cond3A_111 = arith.constant 0 : i32
      %cond3A_112 = arith.cmpi ne, %convert_element_type3A_110, %cond3A_111 : i32
      scf.if %cond3A_112 {
        %mul3A_120 = arith.constant 5008 : i32
        %mul3A_121 = arith.muli %arg1, %mul3A_120 : i32
        %mul3A_122 = arith.constant 5008 : i32
        %mul3A_123 = arith.muli %arg1, %mul3A_122 : i32
        "tpu.region"() ({
          %run_scoped3A = tpu.sem_alloc : memref<!tpu.dma_semaphore, #tpu.memory_space<semaphore_mem>>
          %dma_start3A = arith.constant 0 : i32
          %dma_start3A_124 = tpu.memref_slice %arg7[%scan3A_89, %mul3A_123, %dma_start3A] : memref<5x80128x16xf32, #tpu.memory_space<hbm>> -> memref<1x5008x16xf32, #tpu.memory_space<hbm>>
          %dma_start3A_125 = tpu.memref_squeeze %dma_start3A_124 : memref<1x5008x16xf32, #tpu.memory_space<hbm>> -> memref<5008x16xf32, #tpu.memory_space<hbm>>
          %dma_start3A_126 = arith.constant 0 : i32
          %dma_start3A_127 = tpu.memref_slice %arg14[%mul3A_121, %dma_start3A_126] : memref<80128x16xf32, #tpu.memory_space<vmem_shared>> -> memref<5008x16xf32, #tpu.memory_space<vmem_shared>>
          tpu.enqueue_dma source(%dma_start3A_127 : memref<5008x16xf32, #tpu.memory_space<vmem_shared>>) target(%dma_start3A_125 : memref<5008x16xf32, #tpu.memory_space<hbm>>) target_semaphore(%run_scoped3A : memref<!tpu.dma_semaphore, #tpu.memory_space<semaphore_mem>>)
          %dma_wait3A = arith.constant 0 : i32
          %dma_wait3A_128 = tpu.memref_slice %arg7[%scan3A_89, %mul3A_123, %dma_wait3A] : memref<5x80128x16xf32, #tpu.memory_space<hbm>> -> memref<1x5008x16xf32, #tpu.memory_space<hbm>>
          %dma_wait3A_129 = tpu.memref_squeeze %dma_wait3A_128 : memref<1x5008x16xf32, #tpu.memory_space<hbm>> -> memref<5008x16xf32, #tpu.memory_space<hbm>>
          %dma_wait3A_130 = arith.constant 0 : i32
          %dma_wait3A_131 = tpu.memref_slice %arg14[%mul3A_121, %dma_wait3A_130] : memref<80128x16xf32, #tpu.memory_space<vmem_shared>> -> memref<5008x16xf32, #tpu.memory_space<vmem_shared>>
          tpu.wait_dma2 semaphore(%run_scoped3A : memref<!tpu.dma_semaphore, #tpu.memory_space<semaphore_mem>>) src(%dma_wait3A_131 : memref<5008x16xf32, #tpu.memory_space<vmem_shared>>) dst(%dma_wait3A_129 : memref<5008x16xf32, #tpu.memory_space<hbm>>)
          tpu.yield
        }) : () -> ()
      } else {
      }
      %eq3A_113 = arith.constant 1 : i32
      %eq3A_114 = arith.cmpi eq, %arg0, %eq3A_113 : i32
      %convert_element_type3A_115 = arith.extui %eq3A_114 : i1 to i32
      %cond3A_116 = arith.constant 0 : i32
      %cond3A_117 = arith.cmpi ne, %convert_element_type3A_115, %cond3A_116 : i32
      scf.if %cond3A_117 {
        %mul3A_120 = arith.constant 5008 : i32
        %mul3A_121 = arith.muli %arg1, %mul3A_120 : i32
        %mul3A_122 = arith.constant 5008 : i32
        %mul3A_123 = arith.muli %arg1, %mul3A_122 : i32
        "tpu.region"() ({
          %run_scoped3A = tpu.sem_alloc : memref<!tpu.dma_semaphore, #tpu.memory_space<semaphore_mem>>
          %dma_start3A = arith.constant 0 : i32
          %dma_start3A_124 = tpu.memref_slice %arg8[%scan3A_89, %mul3A_123, %dma_start3A] : memref<5x80128x16xf32, #tpu.memory_space<hbm>> -> memref<1x5008x16xf32, #tpu.memory_space<hbm>>
          %dma_start3A_125 = tpu.memref_squeeze %dma_start3A_124 : memref<1x5008x16xf32, #tpu.memory_space<hbm>> -> memref<5008x16xf32, #tpu.memory_space<hbm>>
          %dma_start3A_126 = arith.constant 0 : i32
          %dma_start3A_127 = tpu.memref_slice %arg14[%mul3A_121, %dma_start3A_126] : memref<80128x16xf32, #tpu.memory_space<vmem_shared>> -> memref<5008x16xf32, #tpu.memory_space<vmem_shared>>
          tpu.enqueue_dma source(%dma_start3A_127 : memref<5008x16xf32, #tpu.memory_space<vmem_shared>>) target(%dma_start3A_125 : memref<5008x16xf32, #tpu.memory_space<hbm>>) target_semaphore(%run_scoped3A : memref<!tpu.dma_semaphore, #tpu.memory_space<semaphore_mem>>)
          %dma_wait3A = arith.constant 0 : i32
          %dma_wait3A_128 = tpu.memref_slice %arg8[%scan3A_89, %mul3A_123, %dma_wait3A] : memref<5x80128x16xf32, #tpu.memory_space<hbm>> -> memref<1x5008x16xf32, #tpu.memory_space<hbm>>
          %dma_wait3A_129 = tpu.memref_squeeze %dma_wait3A_128 : memref<1x5008x16xf32, #tpu.memory_space<hbm>> -> memref<5008x16xf32, #tpu.memory_space<hbm>>
          %dma_wait3A_130 = arith.constant 0 : i32
          %dma_wait3A_131 = tpu.memref_slice %arg14[%mul3A_121, %dma_wait3A_130] : memref<80128x16xf32, #tpu.memory_space<vmem_shared>> -> memref<5008x16xf32, #tpu.memory_space<vmem_shared>>
          tpu.wait_dma2 semaphore(%run_scoped3A : memref<!tpu.dma_semaphore, #tpu.memory_space<semaphore_mem>>) src(%dma_wait3A_131 : memref<5008x16xf32, #tpu.memory_space<vmem_shared>>) dst(%dma_wait3A_129 : memref<5008x16xf32, #tpu.memory_space<hbm>>)
          tpu.yield
        }) : () -> ()
      } else {
      }
      %barrier3A_118 = arith.constant 0 : index
      tpu.barrier barrier_id(%barrier3A_118)
      %scan3A_119 = arith.constant 0 : i32
      scf.yield %scan3A_119 : i32
    }
    %scan3A_88 = arith.constant 5 : i32
    return
  }
}

module attributes {stable_mosaic.version = 14 : i64} {
  func.func @_tc_body(%arg0: i32, %arg1: i32, %arg2: memref<8x4xf32, #tpu.memory_space<smem>>, %arg3: memref<4x128x128xf32, #tpu.memory_space<vmem>>, %arg4: memref<128xf32, #tpu.memory_space<vmem>>, %arg5: memref<1x2000x16xf32, #tpu.memory_space<vmem>>, %arg6: memref<1x2000x16xf32, #tpu.memory_space<vmem>>, %arg7: memref<1x2000x16xf32, #tpu.memory_space<vmem>>, %arg8: memref<1x2000x16xf32, #tpu.memory_space<vmem>>, %arg9: memref<1x2000x16xf32, #tpu.memory_space<vmem>>, %arg10: memref<1x2000x16xf32, #tpu.memory_space<vmem>>, %arg11: memref<1x2000x16xf32, #tpu.memory_space<vmem>>, %arg12: memref<1x2000x16xf32, #tpu.memory_space<vmem>>, %arg13: memref<1x2000x16xf32, #tpu.memory_space<vmem>>, %arg14: memref<1x2000x16xf32, #tpu.memory_space<vmem>>, %arg15: memref<2000x128xf32, #tpu.memory_space<vmem>>) attributes {dimension_semantics = [#tpu.dimension_semantics<arbitrary>, #tpu.dimension_semantics<arbitrary>], iteration_bounds = array<i64: 5, 8>, scalar_prefetch = 0 : i64, scratch_operands = 0 : i64, tpu.core_type = #tpu.core_type<tc>, window_params = [{transform_indices = @transform_0, window_bounds = array<i64: 8, 4>}, {pipeline_mode = #tpu.pipeline_mode<synchronous>, transform_indices = @transform_1, window_bounds = array<i64: 4, 128, 128>}, {pipeline_mode = #tpu.pipeline_mode<synchronous>, transform_indices = @transform_2, window_bounds = array<i64: 128>}, {transform_indices = @transform_3, window_bounds = array<i64: 1, 2000, 16>}, {transform_indices = @transform_4, window_bounds = array<i64: 1, 2000, 16>}, {transform_indices = @transform_5, window_bounds = array<i64: 1, 2000, 16>}, {transform_indices = @transform_6, window_bounds = array<i64: 1, 2000, 16>}, {transform_indices = @transform_7, window_bounds = array<i64: 1, 2000, 16>}, {transform_indices = @transform_8, window_bounds = array<i64: 1, 2000, 16>}, {transform_indices = @transform_9, window_bounds = array<i64: 1, 2000, 16>}, {transform_indices = @transform_10, window_bounds = array<i64: 1, 2000, 16>}, {transform_indices = @transform_11, window_bounds = array<i64: 1, 2000, 16>}, {transform_indices = @transform_12, window_bounds = array<i64: 1, 2000, 16>}, {transform_indices = @transform_13, window_bounds = array<i64: 2000, 128>}]} {
    %get3A = arith.index_cast %arg1 : i32 to index
    %get3A_0 = arith.constant 0 : index
    %get3A_1 = memref.load %arg2[%get3A, %get3A_0] : memref<8x4xf32, #tpu.memory_space<smem>>
    %get3A_2 = arith.constant 0 : index
    %get3A_3 = arith.constant 0 : index
    %get3A_4 = arith.constant 0 : index
    %get3A_5 = vector.load %arg3[%get3A_2, %get3A_3, %get3A_4] : memref<4x128x128xf32, #tpu.memory_space<vmem>>, vector<1x128x128xf32>
    %get3A_6 = vector.shape_cast %get3A_5 : vector<1x128x128xf32> to vector<128x128xf32>
    %mul3A = vector.broadcast %get3A_1 : f32 to vector<128x128xf32>
    %mul3A_7 = arith.mulf %mul3A, %get3A_6 : vector<128x128xf32>
    %get3A_8 = arith.index_cast %arg1 : i32 to index
    %get3A_9 = arith.constant 1 : index
    %get3A_10 = memref.load %arg2[%get3A_8, %get3A_9] : memref<8x4xf32, #tpu.memory_space<smem>>
    %get3A_11 = arith.constant 1 : index
    %get3A_12 = arith.constant 0 : index
    %get3A_13 = arith.constant 0 : index
    %get3A_14 = vector.load %arg3[%get3A_11, %get3A_12, %get3A_13] : memref<4x128x128xf32, #tpu.memory_space<vmem>>, vector<1x128x128xf32>
    %get3A_15 = vector.shape_cast %get3A_14 : vector<1x128x128xf32> to vector<128x128xf32>
    %mul3A_16 = vector.broadcast %get3A_10 : f32 to vector<128x128xf32>
    %mul3A_17 = arith.mulf %mul3A_16, %get3A_15 : vector<128x128xf32>
    %add3A = arith.addf %mul3A_7, %mul3A_17 : vector<128x128xf32>
    %get3A_18 = arith.index_cast %arg1 : i32 to index
    %get3A_19 = arith.constant 2 : index
    %get3A_20 = memref.load %arg2[%get3A_18, %get3A_19] : memref<8x4xf32, #tpu.memory_space<smem>>
    %get3A_21 = arith.constant 2 : index
    %get3A_22 = arith.constant 0 : index
    %get3A_23 = arith.constant 0 : index
    %get3A_24 = vector.load %arg3[%get3A_21, %get3A_22, %get3A_23] : memref<4x128x128xf32, #tpu.memory_space<vmem>>, vector<1x128x128xf32>
    %get3A_25 = vector.shape_cast %get3A_24 : vector<1x128x128xf32> to vector<128x128xf32>
    %mul3A_26 = vector.broadcast %get3A_20 : f32 to vector<128x128xf32>
    %mul3A_27 = arith.mulf %mul3A_26, %get3A_25 : vector<128x128xf32>
    %add3A_28 = arith.addf %add3A, %mul3A_27 : vector<128x128xf32>
    %get3A_29 = arith.index_cast %arg1 : i32 to index
    %get3A_30 = arith.constant 3 : index
    %get3A_31 = memref.load %arg2[%get3A_29, %get3A_30] : memref<8x4xf32, #tpu.memory_space<smem>>
    %get3A_32 = arith.constant 3 : index
    %get3A_33 = arith.constant 0 : index
    %get3A_34 = arith.constant 0 : index
    %get3A_35 = vector.load %arg3[%get3A_32, %get3A_33, %get3A_34] : memref<4x128x128xf32, #tpu.memory_space<vmem>>, vector<1x128x128xf32>
    %get3A_36 = vector.shape_cast %get3A_35 : vector<1x128x128xf32> to vector<128x128xf32>
    %mul3A_37 = vector.broadcast %get3A_31 : f32 to vector<128x128xf32>
    %mul3A_38 = arith.mulf %mul3A_37, %get3A_36 : vector<128x128xf32>
    %add3A_39 = arith.addf %add3A_28, %mul3A_38 : vector<128x128xf32>
    %get3A_40 = arith.constant 0 : index
    %get3A_41 = arith.constant 0 : index
    %get3A_42 = arith.constant 0 : index
    %get3A_43 = vector.load %arg5[%get3A_40, %get3A_41, %get3A_42] : memref<1x2000x16xf32, #tpu.memory_space<vmem>>, vector<1x2000x16xf32>
    %get3A_44 = vector.shape_cast %get3A_43 : vector<1x2000x16xf32> to vector<2000x16xf32>
    %get3A_45 = arith.constant 0 : index
    %get3A_46 = arith.constant 0 : index
    %get3A_47 = arith.constant 0 : index
    %get3A_48 = vector.load %arg6[%get3A_45, %get3A_46, %get3A_47] : memref<1x2000x16xf32, #tpu.memory_space<vmem>>, vector<1x2000x16xf32>
    %get3A_49 = vector.shape_cast %get3A_48 : vector<1x2000x16xf32> to vector<2000x16xf32>
    %get3A_50 = arith.constant 0 : index
    %get3A_51 = arith.constant 0 : index
    %get3A_52 = arith.constant 0 : index
    %get3A_53 = vector.load %arg7[%get3A_50, %get3A_51, %get3A_52] : memref<1x2000x16xf32, #tpu.memory_space<vmem>>, vector<1x2000x16xf32>
    %get3A_54 = vector.shape_cast %get3A_53 : vector<1x2000x16xf32> to vector<2000x16xf32>
    %get3A_55 = arith.constant 0 : index
    %get3A_56 = arith.constant 0 : index
    %get3A_57 = arith.constant 0 : index
    %get3A_58 = vector.load %arg8[%get3A_55, %get3A_56, %get3A_57] : memref<1x2000x16xf32, #tpu.memory_space<vmem>>, vector<1x2000x16xf32>
    %get3A_59 = vector.shape_cast %get3A_58 : vector<1x2000x16xf32> to vector<2000x16xf32>
    %get3A_60 = arith.constant 0 : index
    %get3A_61 = arith.constant 0 : index
    %get3A_62 = arith.constant 0 : index
    %get3A_63 = vector.load %arg9[%get3A_60, %get3A_61, %get3A_62] : memref<1x2000x16xf32, #tpu.memory_space<vmem>>, vector<1x2000x16xf32>
    %get3A_64 = vector.shape_cast %get3A_63 : vector<1x2000x16xf32> to vector<2000x16xf32>
    %get3A_65 = arith.constant 0 : index
    %get3A_66 = arith.constant 0 : index
    %get3A_67 = arith.constant 0 : index
    %get3A_68 = vector.load %arg10[%get3A_65, %get3A_66, %get3A_67] : memref<1x2000x16xf32, #tpu.memory_space<vmem>>, vector<1x2000x16xf32>
    %get3A_69 = vector.shape_cast %get3A_68 : vector<1x2000x16xf32> to vector<2000x16xf32>
    %get3A_70 = arith.constant 0 : index
    %get3A_71 = arith.constant 0 : index
    %get3A_72 = arith.constant 0 : index
    %get3A_73 = vector.load %arg11[%get3A_70, %get3A_71, %get3A_72] : memref<1x2000x16xf32, #tpu.memory_space<vmem>>, vector<1x2000x16xf32>
    %get3A_74 = vector.shape_cast %get3A_73 : vector<1x2000x16xf32> to vector<2000x16xf32>
    %get3A_75 = arith.constant 0 : index
    %get3A_76 = arith.constant 0 : index
    %get3A_77 = arith.constant 0 : index
    %get3A_78 = vector.load %arg12[%get3A_75, %get3A_76, %get3A_77] : memref<1x2000x16xf32, #tpu.memory_space<vmem>>, vector<1x2000x16xf32>
    %get3A_79 = vector.shape_cast %get3A_78 : vector<1x2000x16xf32> to vector<2000x16xf32>
    %concatenate3A = tpu.concatenate %get3A_44, %get3A_49, %get3A_54, %get3A_59, %get3A_64, %get3A_69, %get3A_74, %get3A_79 in 1 : vector<2000x16xf32>, vector<2000x16xf32>, vector<2000x16xf32>, vector<2000x16xf32>, vector<2000x16xf32>, vector<2000x16xf32>, vector<2000x16xf32>, vector<2000x16xf32> -> vector<2000x128xf32>
    %get3A_80 = arith.constant 0 : index
    %get3A_81 = arith.constant 0 : index
    %get3A_82 = arith.constant 0 : index
    %get3A_83 = vector.load %arg13[%get3A_80, %get3A_81, %get3A_82] : memref<1x2000x16xf32, #tpu.memory_space<vmem>>, vector<1x2000x16xf32>
    %get3A_84 = vector.shape_cast %get3A_83 : vector<1x2000x16xf32> to vector<2000x16xf32>
    %slice3A = vector.extract_strided_slice %get3A_84 {offsets = [0, 0], sizes = [2000, 1], strides = [1, 1]} : vector<2000x16xf32> to vector<2000x1xf32>
    %squeeze3A = vector.shape_cast %slice3A : vector<2000x1xf32> to vector<2000xf32>
    %get3A_85 = arith.constant 0 : index
    %get3A_86 = arith.constant 0 : index
    %get3A_87 = arith.constant 0 : index
    %get3A_88 = vector.load %arg14[%get3A_85, %get3A_86, %get3A_87] : memref<1x2000x16xf32, #tpu.memory_space<vmem>>, vector<1x2000x16xf32>
    %get3A_89 = vector.shape_cast %get3A_88 : vector<1x2000x16xf32> to vector<2000x16xf32>
    %slice3A_90 = vector.extract_strided_slice %get3A_89 {offsets = [0, 0], sizes = [2000, 1], strides = [1, 1]} : vector<2000x16xf32> to vector<2000x1xf32>
    %squeeze3A_91 = vector.shape_cast %slice3A_90 : vector<2000x1xf32> to vector<2000xf32>
    %add3A_92 = arith.addf %squeeze3A, %squeeze3A_91 : vector<2000xf32>
    %jit3A = arith.constant 1.000000e+00 : f32
    %max3A = vector.broadcast %jit3A : f32 to vector<2000xf32>
    %max3A_93 = arith.maximumf %max3A, %add3A_92 : vector<2000xf32>
    %div3A = arith.constant 1.000000e+00 : f32
    %div3A_94 = vector.broadcast %div3A : f32 to vector<2000xf32>
    %div3A_95 = arith.divf %div3A_94, %max3A_93 : vector<2000xf32>
    %broadcast_in_dim3A = vector.shape_cast %div3A_95 : vector<2000xf32> to vector<2000x1xf32>
    %mul3A_96 = vector.broadcast %broadcast_in_dim3A : vector<2000x1xf32> to vector<2000x128xf32>
    %mul3A_97 = arith.mulf %concatenate3A, %mul3A_96 : vector<2000x128xf32>
    %dot_general3A = arith.constant dense<0.000000e+00> : vector<2000x128xf32>
    %dot_general3A_98 = tpu.matmul %mul3A_97, %add3A_39, %dot_general3A {dimension_numbers = #tpu.dot_dimension_numbers<[1], [0], [0], [1], [0, 0, 1, 1], [], []>, transpose_lhs_hint = false} : vector<2000x128xf32>, vector<128x128xf32>, vector<2000x128xf32> -> vector<2000x128xf32>
    %eq3A = arith.constant 0 : i32
    %eq3A_99 = arith.cmpi eq, %arg1, %eq3A : i32
    %convert_element_type3A = arith.extui %eq3A_99 : i1 to i32
    %cond3A = arith.constant 0 : i32
    %cond3A_100 = arith.cmpi ne, %convert_element_type3A, %cond3A : i32
    scf.if %cond3A_100 {
      %swap3A = arith.constant 0 : index
      %swap3A_110 = arith.constant 0 : index
      %swap3A_111 = vector.load %arg15[%swap3A, %swap3A_110] : memref<2000x128xf32, #tpu.memory_space<vmem>>, vector<2000x128xf32>
      tpu.vector_store %arg15[%swap3A, %swap3A_110], %dot_general3A_98 {strides = array<i32>} : memref<2000x128xf32, #tpu.memory_space<vmem>>, vector<2000x128xf32>,
    } else {
    }
    %gt3A = arith.constant 0 : i32
    %gt3A_101 = arith.cmpi sgt, %arg1, %gt3A : i32
    %convert_element_type3A_102 = arith.extui %gt3A_101 : i1 to i32
    %cond3A_103 = arith.constant 0 : i32
    %cond3A_104 = arith.cmpi ne, %convert_element_type3A_102, %cond3A_103 : i32
    scf.if %cond3A_104 {
      %get3A_110 = arith.constant 0 : index
      %get3A_111 = arith.constant 0 : index
      %get3A_112 = vector.load %arg15[%get3A_110, %get3A_111] : memref<2000x128xf32, #tpu.memory_space<vmem>>, vector<2000x128xf32>
      %add3A_113 = arith.addf %get3A_112, %dot_general3A_98 : vector<2000x128xf32>
      %swap3A = arith.constant 0 : index
      %swap3A_114 = arith.constant 0 : index
      %swap3A_115 = vector.load %arg15[%swap3A, %swap3A_114] : memref<2000x128xf32, #tpu.memory_space<vmem>>, vector<2000x128xf32>
      tpu.vector_store %arg15[%swap3A, %swap3A_114], %add3A_113 {strides = array<i32>} : memref<2000x128xf32, #tpu.memory_space<vmem>>, vector<2000x128xf32>,
    } else {
    }
    %eq3A_105 = arith.constant 7 : i32
    %eq3A_106 = arith.cmpi eq, %arg1, %eq3A_105 : i32
    %convert_element_type3A_107 = arith.extui %eq3A_106 : i1 to i32
    %cond3A_108 = arith.constant 0 : i32
    %cond3A_109 = arith.cmpi ne, %convert_element_type3A_107, %cond3A_108 : i32
    scf.if %cond3A_109 {
      %get3A_110 = arith.constant 0 : index
      %get3A_111 = arith.constant 0 : index
      %get3A_112 = vector.load %arg15[%get3A_110, %get3A_111] : memref<2000x128xf32, #tpu.memory_space<vmem>>, vector<2000x128xf32>
      %get3A_113 = arith.constant 0 : index
      %get3A_114 = vector.load %arg4[%get3A_113] : memref<128xf32, #tpu.memory_space<vmem>>, vector<128xf32>
      %broadcast_in_dim3A_115 = vector.shape_cast %get3A_114 : vector<128xf32> to vector<1x128xf32>
      %add3A_116 = vector.broadcast %broadcast_in_dim3A_115 : vector<1x128xf32> to vector<2000x128xf32>
      %add3A_117 = arith.addf %get3A_112, %add3A_116 : vector<2000x128xf32>
      %max3A_118 = arith.constant 0.000000e+00 : f32
      %max3A_119 = vector.broadcast %max3A_118 : f32 to vector<2000x128xf32>
      %max3A_120 = arith.maximumf %add3A_117, %max3A_119 : vector<2000x128xf32>
      %swap3A = arith.constant 0 : index
      %swap3A_121 = arith.constant 0 : index
      %swap3A_122 = vector.load %arg15[%swap3A, %swap3A_121] : memref<2000x128xf32, #tpu.memory_space<vmem>>, vector<2000x128xf32>
      tpu.vector_store %arg15[%swap3A, %swap3A_121], %max3A_120 {strides = array<i32>} : memref<2000x128xf32, #tpu.memory_space<vmem>>, vector<2000x128xf32>,
    } else {
    }
    return
  }
  func.func @transform_0(%arg0: i32, %arg1: i32) -> (i32, i32) {
    %c0_i32 = arith.constant 0 : i32
    %c0_i32_0 = arith.constant 0 : i32
    %c0_i32_1 = arith.constant 0 : i32
    return %c0_i32, %c0_i32_0 : i32, i32
  }
  func.func @transform_1(%arg0: i32, %arg1: i32) -> (i32, i32, i32) {
    %c0_i32 = arith.constant 0 : i32
    %c0_i32_0 = arith.constant 0 : i32
    %c0_i32_1 = arith.constant 0 : i32
    %c0_i32_2 = arith.constant 0 : i32
    return %c0_i32, %c0_i32_0, %c0_i32_1 : i32, i32, i32
  }
  func.func @transform_2(%arg0: i32, %arg1: i32) -> i32 {
    %c0_i32 = arith.constant 0 : i32
    %c0_i32_0 = arith.constant 0 : i32
    return %c0_i32 : i32
  }
  func.func @transform_3(%arg0: i32, %arg1: i32) -> (i32, i32, i32) {
    %mul3A = arith.constant 5 : i32
    %mul3A_0 = arith.muli %arg1, %mul3A : i32
    %add3A = arith.addi %mul3A_0, %arg0 : i32
    %c0_i32 = arith.constant 0 : i32
    %c0_i32_1 = arith.constant 0 : i32
    %c0_i32_2 = arith.constant 0 : i32
    return %c0_i32, %add3A, %c0_i32_1 : i32, i32, i32
  }
  func.func @transform_4(%arg0: i32, %arg1: i32) -> (i32, i32, i32) {
    %mul3A = arith.constant 5 : i32
    %mul3A_0 = arith.muli %arg1, %mul3A : i32
    %add3A = arith.addi %mul3A_0, %arg0 : i32
    %c1_i32 = arith.constant 1 : i32
    %c0_i32 = arith.constant 0 : i32
    %c0_i32_1 = arith.constant 0 : i32
    return %c1_i32, %add3A, %c0_i32 : i32, i32, i32
  }
  func.func @transform_5(%arg0: i32, %arg1: i32) -> (i32, i32, i32) {
    %mul3A = arith.constant 5 : i32
    %mul3A_0 = arith.muli %arg1, %mul3A : i32
    %add3A = arith.addi %mul3A_0, %arg0 : i32
    %c2_i32 = arith.constant 2 : i32
    %c0_i32 = arith.constant 0 : i32
    %c0_i32_1 = arith.constant 0 : i32
    return %c2_i32, %add3A, %c0_i32 : i32, i32, i32
  }
  func.func @transform_6(%arg0: i32, %arg1: i32) -> (i32, i32, i32) {
    %mul3A = arith.constant 5 : i32
    %mul3A_0 = arith.muli %arg1, %mul3A : i32
    %add3A = arith.addi %mul3A_0, %arg0 : i32
    %c3_i32 = arith.constant 3 : i32
    %c0_i32 = arith.constant 0 : i32
    %c0_i32_1 = arith.constant 0 : i32
    return %c3_i32, %add3A, %c0_i32 : i32, i32, i32
  }
  func.func @transform_7(%arg0: i32, %arg1: i32) -> (i32, i32, i32) {
    %mul3A = arith.constant 5 : i32
    %mul3A_0 = arith.muli %arg1, %mul3A : i32
    %add3A = arith.addi %mul3A_0, %arg0 : i32
    %c0_i32 = arith.constant 0 : i32
    %c0_i32_1 = arith.constant 0 : i32
    %c0_i32_2 = arith.constant 0 : i32
    return %c0_i32, %add3A, %c0_i32_1 : i32, i32, i32
  }
  func.func @transform_8(%arg0: i32, %arg1: i32) -> (i32, i32, i32) {
    %mul3A = arith.constant 5 : i32
    %mul3A_0 = arith.muli %arg1, %mul3A : i32
    %add3A = arith.addi %mul3A_0, %arg0 : i32
    %c1_i32 = arith.constant 1 : i32
    %c0_i32 = arith.constant 0 : i32
    %c0_i32_1 = arith.constant 0 : i32
    return %c1_i32, %add3A, %c0_i32 : i32, i32, i32
  }
  func.func @transform_9(%arg0: i32, %arg1: i32) -> (i32, i32, i32) {
    %mul3A = arith.constant 5 : i32
    %mul3A_0 = arith.muli %arg1, %mul3A : i32
    %add3A = arith.addi %mul3A_0, %arg0 : i32
    %c2_i32 = arith.constant 2 : i32
    %c0_i32 = arith.constant 0 : i32
    %c0_i32_1 = arith.constant 0 : i32
    return %c2_i32, %add3A, %c0_i32 : i32, i32, i32
  }
  func.func @transform_10(%arg0: i32, %arg1: i32) -> (i32, i32, i32) {
    %mul3A = arith.constant 5 : i32
    %mul3A_0 = arith.muli %arg1, %mul3A : i32
    %add3A = arith.addi %mul3A_0, %arg0 : i32
    %c3_i32 = arith.constant 3 : i32
    %c0_i32 = arith.constant 0 : i32
    %c0_i32_1 = arith.constant 0 : i32
    return %c3_i32, %add3A, %c0_i32 : i32, i32, i32
  }
  func.func @transform_11(%arg0: i32, %arg1: i32) -> (i32, i32, i32) {
    %mul3A = arith.constant 5 : i32
    %mul3A_0 = arith.muli %arg1, %mul3A : i32
    %add3A = arith.addi %mul3A_0, %arg0 : i32
    %c4_i32 = arith.constant 4 : i32
    %c0_i32 = arith.constant 0 : i32
    %c0_i32_1 = arith.constant 0 : i32
    return %c4_i32, %add3A, %c0_i32 : i32, i32, i32
  }
  func.func @transform_12(%arg0: i32, %arg1: i32) -> (i32, i32, i32) {
    %mul3A = arith.constant 5 : i32
    %mul3A_0 = arith.muli %arg1, %mul3A : i32
    %add3A = arith.addi %mul3A_0, %arg0 : i32
    %c4_i32 = arith.constant 4 : i32
    %c0_i32 = arith.constant 0 : i32
    %c0_i32_1 = arith.constant 0 : i32
    return %c4_i32, %add3A, %c0_i32 : i32, i32, i32
  }
  func.func @transform_13(%arg0: i32, %arg1: i32) -> (i32, i32) {
    %c0_i32 = arith.constant 0 : i32
    %c0_i32_0 = arith.constant 0 : i32
    return %arg0, %c0_i32 : i32, i32
  }
}

</mosaic_0001>

<sc_bundles>
// kernel: kernel.4.cloned.1.call-start
scs
__scs_entry_jumppad:
0x0: {  	(pc) =	sbr.rel $0x88, $3  }
0x1: {  	(tag) =	ssettag $0x0;
	lr =	simm.s32 $0x1  }
0x2: {  	[smem:$0x3F9B] =	sst lr;
	_ =	strace $0xD0000000  }
0x3: {  	_ = 	snop  }
0x4: {  	_ = 	snop  }
0x5: {  	_ = 	snop  }
0x6: {  	_ = 	snop  }
0x7: {  	_ = 	snop  }
__scs_overlays_trampoline_lowered:
0x8: {  	[smem:$0x3FAA] =	sst s0  }
0x9: {  	[smem:$0x3FAB] =	sst s1  }
0xa: {  	[smem:$0x3FAC] =	sst s2  }
0xb: {  	[smem:$0x3FAD] =	sst s3  }
0xc: {  	[smem:$0x3FAE] =	sst s4  }
0xd: {  	[smem:$0x3FAF] =	sst s5  }
0xe: {  	[smem:$0x3FB0] =	sst s6  }
0xf: {  	[smem:$0x3FB1] =	sst s7  }
0x10: {  	[smem:$0x3FB2] =	sst s8  }
0x11: {  	[smem:$0x3FB3] =	sst s9;
	s0 =	simm.s32 @!p0 $0x0  }
0x12: {  	s1 =	sld [smem:$0x3F99];
	s0 =	simm.s32 @p0 $0x1  }
0x13: {  	[smem:$0x3FB4] =	sst s0;
	s0 =	simm.s32 @!p1 $0x0  }
0x14: {  	s2 =	sld [smem:$0x3F98];
	s0 =	simm.s32 @p1 $0x1  }
0x15: {  	[smem:$0x3FB5] =	sst s0;
	s0 =	simm.s32 @!p2 $0x0  }
0x16: {  	s3 =	sld [smem:$0x3FDB];
	s0 =	simm.s32 @p2 $0x1  }
0x17: {  	s4 =	simm.s32 $0x1BF5;
	[smem:$0x3FB7] =	sst s0  }
0x18: {  	s0 =	sld [smem:$0x3F9A];
	_ =	swait.ge [sflag:s4], $0x0  }
0x19: {  	s7 =	sld [smem:$0x3F9B]  }
0x1a: {  	s8 =	sadd.s32 $0xFFFFE003, lr  }
0x1b: {  	s9 =	sadd.s32 $0xFFFFFEF7, lr;
	s5 =	simm.s32 $0xFFFFFFFF;
	p2 =	slt.u32 s8, $0xFFFFF086  }
0x1c: {  	p1 =	slt.u32 s9, $0xF7A;
	s5 =	simm.s32 @!p2 $0x0  }
0x1d: {  	s5 =	simm.s32 @p1 $0x1;
	p0 =	seq.s32 s7, s2  }
0x1e: {  	s7 =	smul.u32 @!p0 $0xF7A, s2;
	p2 =	seq.s32 @!p0 s5, $0x0  }
0x1f: {  	s9 =	smul.u32 $0xF7A, s1;
	s8 =	simm.s32 @!p0 $0x1BF5;
	p2 =	por !p2, p0  }
0x20: {  	[sflag:s8] =	ssyncset.s32 @!p0 $0xFFFFF086;
	s6 =	sadd.s32 @!p0 s3, s7;
	s7 =	simm.s32 @!p0 $0x108  }
0x21: {  	s3 =	sadd.s32 s3, s9;
	s6 =	sadd.s32 @!p0 $0x88, s6;
	s7 =	simm.s32 @p2 $0x1082  }
0x22: {  	[simem:s7], [sflag:s8] =	dma.local @!p0 [hbm:s6], $0xF7A  }
0x23: {  	s9 =	sor.u32 $0xD0000000, s2;
	s6 =	simm.s32 $0x108;
	_ =	swait.ge @!p0 [sflag:s8], $0x0  }
0x24: {  	s3 =	sadd.s32 $0x88, s3;
	s6 =	simm.s32 @!p1 $0x1082;
	[sflag:s4] =	ssyncset.s32 $0xFFFFF086  }
0x25: {  	[simem:s6], [sflag:s4] =	dma.local [hbm:s3], $0xF7A  }
0x26: {  	[smem:$0x3F9B] =	sst s1;
	(tag) =	ssettag s2;
	_ =	strace s9  }
0x27: {  	s1 =	sld [smem:$0x3FAB]  }
0x28: {  	s2 =	sld [smem:$0x3FAC]  }
0x29: {  	s4 =	sld [smem:$0x3FAE]  }
0x2a: {  	p0 =	seq.s32 s5, $0x0;
	s5 =	sld [smem:$0x3FAF]  }
0x2b: {  	s6 =	sld [smem:$0x3FB0]  }
0x2c: {  	s7 =	sld [smem:$0x3FB1]  }
0x2d: {  	s3 =	simm.s32 $0x108;
	s8 =	sld [smem:$0x3FB2]  }
0x2e: {  	s3 =	simm.s32 @!p0 $0x1082;
	s9 =	sld [smem:$0x3FB3]  }
0x2f: {  	lr =	sadd.s32 s0, s3;
	s0 =	sld [smem:$0x3FAA]  }
0x30: {  	s3 =	sld [smem:$0x3FAD]  }
0x31: {  	[smem:$0x3FB6] =	sst s10  }
0x32: {  	s10 =	sld [smem:$0x3FB4];
	_ =	sdelay $0x3  }
0x33: {  	p0 =	seq.s32 s10, $0x1;
	s10 =	sld [smem:$0x3FB6];
	_ =	sdelay $0x3  }
0x34: {  	[smem:$0x3FB6] =	sst s10  }
0x35: {  	s10 =	sld [smem:$0x3FB5];
	_ =	sdelay $0x3  }
0x36: {  	p1 =	seq.s32 s10, $0x1;
	s10 =	sld [smem:$0x3FB6];
	_ =	sdelay $0x3  }
0x37: {  	[smem:$0x3FB6] =	sst s10  }
0x38: {  	s10 =	sld [smem:$0x3FB7]  }
0x39: {  	_ = 	snop;
	(pc) =	sbr.ind lr, $3  }
0x3a: {  	_ = 	snop  }
0x3b: {  	_ = 	snop  }
0x3c: {  	p2 =	seq.s32 s10, $0x1;
	s10 =	sld [smem:$0x3FB6]  }
0x3d: {  	_ =	shalt  }
0x3e: {  	_ =	shalt  }
0x3f: {  	_ =	shalt  }
0x40: {  	_ =	shalt  }
0x41: {  	_ =	shalt  }
0x42: {  	_ =	shalt  }
0x43: {  	_ =	shalt  }
0x44: {  	_ =	shalt  }
0x45: {  	_ =	shalt  }
0x46: {  	_ =	shalt  }
0x47: {  	_ =	shalt  }
0x48: {  	_ =	shalt  }
0x49: {  	_ =	shalt  }
0x4a: {  	_ =	shalt  }
0x4b: {  	_ =	shalt  }
0x4c: {  	_ =	shalt  }
0x4d: {  	_ =	shalt  }
0x4e: {  	_ =	shalt  }
0x4f: {  	_ =	shalt  }
0x50: {  	_ =	shalt  }
0x51: {  	_ =	shalt  }
0x52: {  	_ =	shalt  }
0x53: {  	_ =	shalt  }
0x54: {  	_ =	shalt  }
0x55: {  	_ =	shalt  }
0x56: {  	_ =	shalt  }
0x57: {  	_ =	shalt  }
0x58: {  	_ =	shalt  }
0x59: {  	_ =	shalt  }
0x5a: {  	_ =	shalt  }
0x5b: {  	_ =	shalt  }
0x5c: {  	_ =	shalt  }
0x5d: {  	_ =	shalt  }
0x5e: {  	_ =	shalt  }
0x5f: {  	_ =	shalt  }
0x60: {  	_ =	shalt  }
0x61: {  	_ =	shalt  }
0x62: {  	_ =	shalt  }
0x63: {  	_ =	shalt  }
0x64: {  	_ =	shalt  }
0x65: {  	_ =	shalt  }
0x66: {  	_ =	shalt  }
0x67: {  	_ =	shalt  }
0x68: {  	_ =	shalt  }
0x69: {  	_ =	shalt  }
0x6a: {  	_ =	shalt  }
0x6b: {  	_ =	shalt  }
0x6c: {  	_ =	shalt  }
0x6d: {  	_ =	shalt  }
0x6e: {  	_ =	shalt  }
0x6f: {  	_ =	shalt  }
0x70: {  	_ =	shalt  }
0x71: {  	_ =	shalt  }
0x72: {  	_ =	shalt  }
0x73: {  	_ =	shalt  }
0x74: {  	_ =	shalt  }
0x75: {  	_ =	shalt  }
0x76: {  	_ =	shalt  }
0x77: {  	_ =	shalt  }
0x78: {  	_ =	shalt  }
0x79: {  	_ =	shalt  }
0x7a: {  	_ =	shalt  }
0x7b: {  	_ =	shalt  }
0x7c: {  	_ =	shalt  }
0x7d: {  	_ =	shalt  }
0x7e: {  	_ =	shalt  }
0x7f: {  	_ =	shalt  }
0x80: {  	_ =	shalt  }
0x81: {  	_ =	shalt  }
0x82: {  	_ =	shalt  }
0x83: {  	_ =	shalt  }
0x84: {  	_ =	shalt  }
0x85: {  	_ =	shalt  }
0x86: {  	_ =	shalt  }
0x87: {  	_ =	shalt  }
.Lfunc_end0:
.L_simem_size_0:
called_computation_lowered:
.L_overlay_start_0:
0x88: {  	s2 =	sld [smem:$0x3FD9]  }
0x89: {  	s3 =	sld [smem:$0x3FFE];
	_ =	sdelay $0x1  }
0x8a: {  	s1 =	srdreg.scid  }
0x8b: {  	s0 =	sand.u32 $0x1, s1  }
0x8c: {  	s17 =	sshll.u32 s0, $0xA;
	s2 =	sadd.s32 s3, s2  }
0x8d: {  	s2 =	sadd.s32 s2, s17  }
0x8e: {  	[smem:$0x3FC2] =	sst s2  }
0x8f: {  	_ = 	snop  }
0x90: {  	s2 =	sld [smem:$0x3FD0];
	(tm) =	ssettm $0x1  }
0x91: {  	s18 =	sld [smem:$0x3FFB];
	_ =	sdelay $0x3  }
0x92: {  	_ =	strace s18  }
0x93: {  	s3 =	sld [smem:$0x3FFC];
	_ =	sdelay $0x3  }
0x94: {  	_ =	strace s3  }
0x95: {  	s3 =	sld [smem:$0x3FFD];
	_ =	sdelay $0x3  }
0x96: {  	_ =	strace s3  }
0x97: {  	_ =	strace $0x8FFFFFFF  }
0x98: {  	s19 =	sld [smem:$0x3FDB];
	_ =	sdelay $0x1  }
0x99: {  	s4 =	simm.s32 $_scs_section_size  }
0x9a: {  	s5 =	simm.s32 $_size__tile_overlayer_lowered;
	s6 =	simm.s32 $_tile_overlayer_lowered  }
0x9b: {  	s22 =	simm.s32 $0x1BFF;
	s21 =	sshll.u32 s6, $0x1;
	s3 =	sadd.s32 s4, s19  }
0x9c: {  	s7 =	simm.s32 $0x0;
	s20 =	sshll.u32 s5, $0x1;
	s5 =	sadd.s32 s21, s3  }
0x9d: {  	[timem:s7], [sflag:s22] =	dma.local [hbm:s5], s20  }
0x9e: {  	_ =	swait.ge [sflag:s22], s20  }
0x9f: {  	s4 =	ssub.s32 $0x0, s20;
	[sflag:s22] =	ssyncset.done $0x0  }
0xa0: {  	[sflag:s22] =	ssyncadd.s32 s4;
	_ =	sdelay $0x1  }
0xa1: {  	s23 =	simm.s32 $0x1B8B  }
0xa2: {  	_ =	swait.ge [sflag:s23], $0x1  }
0xa3: {  	[sflag:s23] =	ssyncset.done $0x0  }
0xa4: {  	s25 =	simm.s32 $0x1B8E;
	s24 =	sld [smem:$0x3FFE];
	[sflag:s23] =	ssyncadd.s32 $0xFFFFFFFF  }
0xa5: {  	s26 =	simm.s32 $execute0_lowered;
	[smem:$0x3FD2] =	sst s25  }
0xa6: {  	s5 =	sshll.u32 s26, $0x1;
	_ =	strace $0x80000046;
	[dreg:$0x1] =	wrdreg $0xFFFFFFFF  }
0xa7: {  	s28 =	simm.s32 $_size_execute0_lowered;
	s3 =	sadd.s32 s3, s5;
	[dreg:$0x0] =	wrdreg $0x0  }
0xa8: {  	s5 =	sshll.u32 s28, $0x1;
	[dreg:$0x2] =	wrdreg s3  }
0xa9: {  	[dreg:$0x3] =	wrdreg s5  }
0xaa: {  	[dreg:$0x4] =	wrdreg $0xC0  }
0xab: {  	_ =	task [dreg:s7], $0x5FFFF  }
0xac: {  	[dreg:$0x1] =	wrdreg $0xFFFFFFFF  }
0xad: {  	[dreg:$0x0] =	wrdreg $0x60  }
0xae: {  	[dreg:$0x2] =	wrdreg s24  }
0xaf: {  	[dreg:$0x3] =	wrdreg s2  }
0xb0: {  	[dreg:$0x4] =	wrdreg $0xC5000  }
0xb1: {  	[dreg:$0x5] =	wrdreg $0x9  }
0xb2: {  	_ =	task.clear_ibuf [dreg:s7], $0x6FFFF;
	_ =	strace $0x90000046  }
0xb3: {  	s29 =	simm.s32 $0x9;
	_ =	strace $0x80000048  }
0xb4: {  	_ =	swait.ge [sflag:s29], $0x1  }
0xb5: {  	[sflag:s29] =	ssyncadd.s32 $0xFFFFFFFF  }
0xb6: {  	_ =	strace $0x90000048  }
0xb7: {  	_ =	sfence  }
0xb8: {  	s30 =	sld [smem:$0x0];
	_ =	sdelay $0x2  }
0xb9: {  	s31 =	sshll.u32 s1, $0xD;
	s1 =	sshrl.u32 s1, $0x2  }
0xba: {  	s3 =	sand.u32 $0x4000, s31;
	s1 =	sadd.s32 s1, s30  }
0xbb: {  	s0 =	sor.u32 s3, s0;
	s1 =	sshll.u32 s1, $0x11  }
0xbc: {  	s0 =	sor.u32 s1, s0  }
0xbd: {  	s0 =	sadd.s32 $0x8F2B, s0  }
0xbe: {  	[sflag:s0] =	ssyncadd.remote.s32 $0x1  }
0xbf: {  	_ =	sfence.sel $0xFFFF  }
0xc0: {  	[dreg:$0x0] =	wrdreg $0xFFFFFFFF;
	(pc) =	sbr.abs _section_cstart, $3  }
0xc1: {  	[dreg:$0x1] =	wrdreg $0xFFFFFFFF  }
0xc2: {  	_ =	task.clear_ibuf [dreg:s7], $0x2FFFF;
	_ =	strace $0x9FFFFFFF  }
0xc3: {  	(tm) =	ssettm $0x7FFFFFFF  }
tec
execute0_lowered:
.L_overlay_start_1:
0x0: {  	(tag) =	ssettag $0x1  }
0x1: {  	s0 =	rddreg [dreg:$0x0]  }
0x2: {  	s2 =	rddreg [dreg:$0x1]  }
0x3: {  	s3 =	rddreg [dreg:$0x2];
	s4 =	simm.s32 $0x0  }
0x4: {  	s16 =	stileid.u32;
	s5 =	srdreg.scid;
	s14 =	simm.s32 $0x9  }
0x5: {  	s15 =	simm.s32 $0xA100;
	s18 =	simm.s32 $0x80;
	s19 =	simm.s32 $0xA500  }
0x6: {  	s20 =	simm.s32 $0x5;
	s21 =	simm.s32 $0x6;
	s22 =	simm.s32 $0x7  }
0x7: {  	s29 =	simm.s32 $0xB500;
	s30 =	simm.s32 $0x2;
	s1 =	smul.u32 $0x5000, s16  }
0x8: {  	s28 =	simm.s32 $0x4;
	[smem:$0x7FF] =	sst s4;
	s12 =	smul.u32 $0x13900, s16  }
0x9: {  	s6 =	smul.u32 $0xA00, s16;
	s5 =	sand.u32 $0x1, s5;
	s31 =	sshll.u32 s16, $0x6  }
0xa: {  	s16 =	simm.s32 $0xA300;
	_ =	strace $0x80000047;
	s24 =	smul.u32 $0xA000, s5  }
0xb: {  	s8 =	ssub.s32 $0x2, s5;
	s26 =	smul.u32 $0x9C40, s5;
	p0 =	seq.s32 s5, $0x1  }
0xc: {  	s5 =	simm.s32 $0x45E00;
	s17 =	sor.u32 $0x1C09, s31;
	s1 =	sshrl.u32 s1, $0x3  }
0xd: {  	s7 =	sshrl.u32 s12, $0x3;
	s6 =	sadd.s32 s6, s0;
	s23 =	sshrl.u32 s8, $0x1  }
0xe: {  	[dreg:$0x5] =	wrdreg s12;
	s5 =	simm.s32 @!p0 $0x109800;
	s1 =	sadd.s32 s1, s0  }
0xf: {  	s9 =	sadd.s32 s7, s0;
	s10 =	ssub.s32 s8, s23;
	s8 =	sadd.s32 s12, s3  }
0x10: {  	s0 =	sadd.s32 s5, s0;
	s12 =	sadd.s32 $0xC00, s6;
	s13 =	sadd.s32 $0x14C00, s6  }
.Ltmp0:
0x11: {  	s23 =	simm.s32 $0x8;
	s6 =	simm.s32 $0x3;
	(pc) =	sbr.rel .LBB2_1-.Ltmp0, $4  }
0x12: {  	s7 =	simm.s32 $0x0;
	s1 =	sadd.s32 $0xAC00, s1;
	[dreg:$0x7] =	wrdreg s0  }
0x13: {  	s11 =	sadd.s32 $0x1EC00, s9;
	s25 =	smax.u32 s10, $0x1;
	[dreg:$0x4] =	wrdreg s1  }
0x14: {  	v2 =	vimm.f32 $0.0e+00;
	vm0 =	vcmask $0x300;
	s1 =	sshrl.u32 s24, $0x2;
	[dreg:$0x6] =	wrdreg s25;
	s24 =	simm.s32 $0xAD00  }
0x15: {  	v1 =	vimm.s32 $0x0;
	v2 =	vsel vm0, $0x3F800000, v2;
	v0 =	vmov s26;
	s25 =	simm.s32 $0x1;
	s9 =	sadd.s32 $0x5100, s1;
	s1 =	simm.s32 $0xBD00  }
.LBB2_20:
0x16: {  	s7 =	rddreg [dreg:$0x8]  }
0x17: {  	s0 =	rddreg [dreg:$0x6];
	s7 =	sadd.s32 $0x1, s7  }
0x18: {  	p0 =	sne.s32 s7, s0  }
.Ltmp1:
0x19: {  	_ = 	snop;
	(pc) =	sbr.rel @!p0 .LBB2_21-.Ltmp1, $1  }
0x1a: {  	_ =	sdelay $0x3  }
.LBB2_1:
0x1b: {  	s0 =	rddreg [dreg:$0x4]  }
0x1c: {  	[tilespmem:s4], [sflag:$0x9] =	stream.linear.gather [hbm4b:s0+s4], $0x5000, $0x38;
	[tilespmem:$0x1FE00] =	vst v63  }
0x1d: {  	_ =	swait.ge [sflag:s14], $0x5000  }
0x1e: {  	[sflag:s14] =	ssyncset.done $0x0  }
0x1f: {  	s5 =	simm.s32 $0x40;
	s0 =	simm.s32 $0x0;
	[sflag:s14] =	ssyncadd.s32 $0xFFFFB000  }
.LBB2_2:
0x20: {  	p0 =	sne.s32 s5, $0x13FC0;
	v3 =	vld [tilespmem:s0+$0x0];
	_ =	sdelay $0x1  }
.Ltmp2:
0x21: {  	(pc) =	sbr.rel @p0 .LBB2_2-.Ltmp2, $3  }
0x22: {  	_ =	sdelay $0x1  }
0x23: {  	v3 =	vadd.s32 v0, v3  }
0x24: {  	[tilespmem:s0+$0x0] =	vst v3;
	s0 =	sshra.s32 s5, $0x2;
	s5 =	sadd.s32 $0x40, s5  }
0x25: {  	v3 =	vld [tilespmem:s0+$0x0];
	_ =	sdelay $0x4  }
0x26: {  	v3 =	vadd.s32 v0, v3  }
0x27: {  	[tilespmem:s0+$0x0] =	vst v3  }
0x28: {  	[tilespmem:$0x5000] =	vst v1  }
0x29: {  	[tilespmem:$0x5010] =	vst v1  }
0x2a: {  	[tilespmem:$0x5020] =	vst v1  }
0x2b: {  	[tilespmem:$0x5030] =	vst v1  }
0x2c: {  	[tilespmem:$0x5040] =	vst v1  }
0x2d: {  	[tilespmem:$0x5050] =	vst v1  }
0x2e: {  	[tilespmem:$0x5060] =	vst v1  }
0x2f: {  	[tilespmem:$0x5070] =	vst v1  }
0x30: {  	[tilespmem:$0x5080] =	vst v1  }
0x31: {  	[tilespmem:$0x5090] =	vst v1  }
0x32: {  	[tilespmem:$0x50A0] =	vst v1  }
0x33: {  	[tilespmem:$0x50B0] =	vst v1  }
0x34: {  	[tilespmem:$0x50C0] =	vst v1  }
0x35: {  	[tilespmem:$0x50D0] =	vst v1  }
0x36: {  	[tilespmem:$0x50E0] =	vst v1  }
0x37: {  	[dreg:$0x8] =	wrdreg s7;
	s26 =	sadd.s32 $0x0, s12;
	[tilespmem:$0x50F0] =	vst v1  }
0x38: {  	[tilespmem:s15], [sflag:$0x9] =	stream.linear.gather [hbm4b:s26+s4], $0x200, $0x38;
	[tilespmem:$0x1FE00] =	vst v63  }
0x39: {  	_ =	swait.ge [sflag:s14], $0x200  }
0x3a: {  	[sflag:s14] =	ssyncset.done $0x0  }
0x3b: {  	s31 =	sadd.s32 $0x0, s13;
	[sflag:s14] =	ssyncadd.s32 $0xFFFFFE00  }
0x3c: {  	[tilespmem:s16], [sflag:$0x9] =	stream.linear.gather [hbm4b:s31+s4], $0x200, $0x38;
	[tilespmem:$0x1FE00] =	vst v63  }
0x3d: {  	_ =	swait.ge [sflag:s14], $0x200  }
0x3e: {  	[sflag:s14] =	ssyncset.done $0x0  }
0x3f: {  	[sflag:s14] =	ssyncadd.s32 $0xFFFFFE00  }
0x40: {  	v3 =	vld [tilespmem:$0xA300];
	_ =	sdelay $0x1  }
0x41: {  	v4 =	vld [tilespmem:$0xA100];
	_ =	sdelay $0x2  }
0x42: {  	v3 =	vmul.u32 $0x2710, v3;
	_ =	sdelay $0x1  }
0x43: {  	s10 =	simm.s32 $0x5200;
	v3 =	vadd.s32 v4, v3  }
0x44: {  	[tilespmem:s10+$0xFFFFFF00] =	vst v3  }
0x45: {  	v3 =	vld [tilespmem:$0xA310];
	_ =	sdelay $0x1  }
0x46: {  	v4 =	vld [tilespmem:$0xA110];
	_ =	sdelay $0x2  }
0x47: {  	v3 =	vmul.u32 $0x2710, v3;
	_ =	sdelay $0x1  }
0x48: {  	v3 =	vadd.s32 v4, v3  }
0x49: {  	[tilespmem:s10+$0xFFFFFF10] =	vst v3  }
0x4a: {  	v3 =	vld [tilespmem:$0xA320];
	_ =	sdelay $0x1  }
0x4b: {  	v4 =	vld [tilespmem:$0xA120];
	_ =	sdelay $0x2  }
0x4c: {  	v3 =	vmul.u32 $0x2710, v3;
	_ =	sdelay $0x1  }
0x4d: {  	v3 =	vadd.s32 v4, v3  }
0x4e: {  	[tilespmem:s10+$0xFFFFFF20] =	vst v3  }
0x4f: {  	v3 =	vld [tilespmem:$0xA330];
	_ =	sdelay $0x1  }
0x50: {  	v4 =	vld [tilespmem:$0xA130];
	_ =	sdelay $0x2  }
0x51: {  	v3 =	vmul.u32 $0x2710, v3;
	_ =	sdelay $0x1  }
0x52: {  	v3 =	vadd.s32 v4, v3  }
0x53: {  	[tilespmem:s10+$0xFFFFFF30] =	vst v3  }
0x54: {  	v3 =	vld [tilespmem:$0xA340];
	_ =	sdelay $0x1  }
0x55: {  	v4 =	vld [tilespmem:$0xA140];
	_ =	sdelay $0x2  }
0x56: {  	v3 =	vmul.u32 $0x2710, v3;
	_ =	sdelay $0x1  }
0x57: {  	v3 =	vadd.s32 v4, v3  }
0x58: {  	[tilespmem:s10+$0xFFFFFF40] =	vst v3  }
0x59: {  	v3 =	vld [tilespmem:$0xA350];
	_ =	sdelay $0x1  }
0x5a: {  	v4 =	vld [tilespmem:$0xA150];
	_ =	sdelay $0x2  }
0x5b: {  	v3 =	vmul.u32 $0x2710, v3;
	_ =	sdelay $0x1  }
0x5c: {  	v3 =	vadd.s32 v4, v3  }
0x5d: {  	[tilespmem:s10+$0xFFFFFF50] =	vst v3  }
0x5e: {  	v3 =	vld [tilespmem:$0xA360];
	_ =	sdelay $0x1  }
0x5f: {  	v4 =	vld [tilespmem:$0xA160];
	_ =	sdelay $0x2  }
0x60: {  	v3 =	vmul.u32 $0x2710, v3;
	_ =	sdelay $0x1  }
0x61: {  	v3 =	vadd.s32 v4, v3  }
0x62: {  	[tilespmem:s10+$0xFFFFFF60] =	vst v3  }
0x63: {  	v3 =	vld [tilespmem:$0xA370];
	_ =	sdelay $0x1  }
0x64: {  	v4 =	vld [tilespmem:$0xA170];
	_ =	sdelay $0x2  }
0x65: {  	v3 =	vmul.u32 $0x2710, v3;
	_ =	sdelay $0x1  }
0x66: {  	v3 =	vadd.s32 v4, v3  }
0x67: {  	[tilespmem:s10+$0xFFFFFF70] =	vst v3  }
0x68: {  	v3 =	vld [tilespmem:$0xA380];
	_ =	sdelay $0x1  }
0x69: {  	v4 =	vld [tilespmem:$0xA180];
	_ =	sdelay $0x2  }
0x6a: {  	v3 =	vmul.u32 $0x2710, v3;
	_ =	sdelay $0x1  }
0x6b: {  	v3 =	vadd.s32 v4, v3  }
0x6c: {  	[tilespmem:s10+$0xFFFFFF80] =	vst v3  }
0x6d: {  	v3 =	vld [tilespmem:$0xA390];
	_ =	sdelay $0x1  }
0x6e: {  	v4 =	vld [tilespmem:$0xA190];
	_ =	sdelay $0x2  }
0x6f: {  	v3 =	vmul.u32 $0x2710, v3;
	_ =	sdelay $0x1  }
0x70: {  	v3 =	vadd.s32 v4, v3  }
0x71: {  	[tilespmem:s10+$0xFFFFFF90] =	vst v3  }
0x72: {  	v3 =	vld [tilespmem:$0xA3A0];
	_ =	sdelay $0x1  }
0x73: {  	v4 =	vld [tilespmem:$0xA1A0];
	_ =	sdelay $0x2  }
0x74: {  	v3 =	vmul.u32 $0x2710, v3;
	_ =	sdelay $0x1  }
0x75: {  	v3 =	vadd.s32 v4, v3  }
0x76: {  	[tilespmem:s10+$0xFFFFFFA0] =	vst v3  }
0x77: {  	v3 =	vld [tilespmem:$0xA3B0];
	_ =	sdelay $0x1  }
0x78: {  	v4 =	vld [tilespmem:$0xA1B0];
	_ =	sdelay $0x2  }
0x79: {  	v3 =	vmul.u32 $0x2710, v3;
	_ =	sdelay $0x1  }
0x7a: {  	v3 =	vadd.s32 v4, v3  }
0x7b: {  	[tilespmem:s10+$0xFFFFFFB0] =	vst v3  }
0x7c: {  	v3 =	vld [tilespmem:$0xA3C0];
	_ =	sdelay $0x1  }
0x7d: {  	v4 =	vld [tilespmem:$0xA1C0];
	_ =	sdelay $0x2  }
0x7e: {  	v3 =	vmul.u32 $0x2710, v3;
	_ =	sdelay $0x1  }
0x7f: {  	v3 =	vadd.s32 v4, v3  }
0x80: {  	[tilespmem:s10+$0xFFFFFFC0] =	vst v3  }
0x81: {  	v3 =	vld [tilespmem:$0xA3D0];
	_ =	sdelay $0x1  }
0x82: {  	v4 =	vld [tilespmem:$0xA1D0];
	_ =	sdelay $0x2  }
0x83: {  	v3 =	vmul.u32 $0x2710, v3;
	_ =	sdelay $0x1  }
0x84: {  	v3 =	vadd.s32 v4, v3  }
0x85: {  	[tilespmem:s10+$0xFFFFFFD0] =	vst v3  }
0x86: {  	v3 =	vld [tilespmem:$0xA3E0];
	_ =	sdelay $0x1  }
0x87: {  	v4 =	vld [tilespmem:$0xA1E0];
	_ =	sdelay $0x2  }
0x88: {  	v3 =	vmul.u32 $0x2710, v3;
	_ =	sdelay $0x1  }
0x89: {  	v3 =	vadd.s32 v4, v3  }
0x8a: {  	[tilespmem:s10+$0xFFFFFFE0] =	vst v3  }
0x8b: {  	v3 =	vld [tilespmem:$0xA3F0];
	_ =	sdelay $0x1  }
0x8c: {  	v4 =	vld [tilespmem:$0xA1F0];
	_ =	sdelay $0x2  }
0x8d: {  	v3 =	vmul.u32 $0x2710, v3;
	_ =	sdelay $0x1  }
0x8e: {  	v3 =	vadd.s32 v4, v3  }
0x8f: {  	[tilespmem:s10+$0xFFFFFFF0] =	vst v3  }
0x90: {  	v3 =	vld [tilespmem:$0xA400];
	_ =	sdelay $0x1  }
0x91: {  	v4 =	vld [tilespmem:$0xA200];
	_ =	sdelay $0x2  }
0x92: {  	v3 =	vmul.u32 $0x2710, v3;
	_ =	sdelay $0x1  }
0x93: {  	v3 =	vadd.s32 v4, v3  }
0x94: {  	[tilespmem:s10+$0x0] =	vst v3  }
0x95: {  	v3 =	vld [tilespmem:$0xA410];
	_ =	sdelay $0x1  }
0x96: {  	v4 =	vld [tilespmem:$0xA210];
	_ =	sdelay $0x2  }
0x97: {  	v3 =	vmul.u32 $0x2710, v3;
	_ =	sdelay $0x1  }
0x98: {  	v3 =	vadd.s32 v4, v3  }
0x99: {  	[tilespmem:s10+$0x10] =	vst v3  }
0x9a: {  	v3 =	vld [tilespmem:$0xA420];
	_ =	sdelay $0x1  }
0x9b: {  	v4 =	vld [tilespmem:$0xA220];
	_ =	sdelay $0x2  }
0x9c: {  	v3 =	vmul.u32 $0x2710, v3;
	_ =	sdelay $0x1  }
0x9d: {  	v3 =	vadd.s32 v4, v3  }
0x9e: {  	[tilespmem:s10+$0x20] =	vst v3  }
0x9f: {  	v3 =	vld [tilespmem:$0xA430];
	_ =	sdelay $0x1  }
0xa0: {  	v4 =	vld [tilespmem:$0xA230];
	_ =	sdelay $0x2  }
0xa1: {  	v3 =	vmul.u32 $0x2710, v3;
	_ =	sdelay $0x1  }
0xa2: {  	v3 =	vadd.s32 v4, v3  }
0xa3: {  	[tilespmem:s10+$0x30] =	vst v3  }
0xa4: {  	v3 =	vld [tilespmem:$0xA440];
	_ =	sdelay $0x1  }
0xa5: {  	v4 =	vld [tilespmem:$0xA240];
	_ =	sdelay $0x2  }
0xa6: {  	v3 =	vmul.u32 $0x2710, v3;
	_ =	sdelay $0x1  }
0xa7: {  	v3 =	vadd.s32 v4, v3  }
0xa8: {  	[tilespmem:s10+$0x40] =	vst v3  }
0xa9: {  	v3 =	vld [tilespmem:$0xA450];
	_ =	sdelay $0x1  }
0xaa: {  	v4 =	vld [tilespmem:$0xA250];
	_ =	sdelay $0x2  }
0xab: {  	v3 =	vmul.u32 $0x2710, v3;
	_ =	sdelay $0x1  }
0xac: {  	v3 =	vadd.s32 v4, v3  }
0xad: {  	[tilespmem:s10+$0x50] =	vst v3  }
0xae: {  	v3 =	vld [tilespmem:$0xA460];
	_ =	sdelay $0x1  }
0xaf: {  	v4 =	vld [tilespmem:$0xA260];
	_ =	sdelay $0x2  }
0xb0: {  	v3 =	vmul.u32 $0x2710, v3;
	_ =	sdelay $0x1  }
0xb1: {  	v3 =	vadd.s32 v4, v3  }
0xb2: {  	[tilespmem:s10+$0x60] =	vst v3  }
0xb3: {  	v3 =	vld [tilespmem:$0xA470];
	_ =	sdelay $0x1  }
0xb4: {  	v4 =	vld [tilespmem:$0xA270];
	_ =	sdelay $0x2  }
0xb5: {  	v3 =	vmul.u32 $0x2710, v3;
	_ =	sdelay $0x1  }
0xb6: {  	v3 =	vadd.s32 v4, v3  }
0xb7: {  	[tilespmem:s10+$0x70] =	vst v3  }
0xb8: {  	v3 =	vld [tilespmem:$0xA480];
	_ =	sdelay $0x1  }
0xb9: {  	v4 =	vld [tilespmem:$0xA280];
	_ =	sdelay $0x2  }
0xba: {  	v3 =	vmul.u32 $0x2710, v3;
	_ =	sdelay $0x1  }
0xbb: {  	v3 =	vadd.s32 v4, v3  }
0xbc: {  	[tilespmem:s10+$0x80] =	vst v3  }
0xbd: {  	v3 =	vld [tilespmem:$0xA490];
	_ =	sdelay $0x1  }
0xbe: {  	v4 =	vld [tilespmem:$0xA290];
	_ =	sdelay $0x2  }
0xbf: {  	v3 =	vmul.u32 $0x2710, v3;
	_ =	sdelay $0x1  }
0xc0: {  	v3 =	vadd.s32 v4, v3  }
0xc1: {  	[tilespmem:s10+$0x90] =	vst v3  }
0xc2: {  	v3 =	vld [tilespmem:$0xA4A0];
	_ =	sdelay $0x1  }
0xc3: {  	v4 =	vld [tilespmem:$0xA2A0];
	_ =	sdelay $0x2  }
0xc4: {  	v3 =	vmul.u32 $0x2710, v3;
	_ =	sdelay $0x1  }
0xc5: {  	v3 =	vadd.s32 v4, v3  }
0xc6: {  	[tilespmem:s10+$0xA0] =	vst v3  }
0xc7: {  	v3 =	vld [tilespmem:$0xA4B0];
	_ =	sdelay $0x1  }
0xc8: {  	v4 =	vld [tilespmem:$0xA2B0];
	_ =	sdelay $0x2  }
0xc9: {  	v3 =	vmul.u32 $0x2710, v3;
	_ =	sdelay $0x1  }
0xca: {  	v3 =	vadd.s32 v4, v3  }
0xcb: {  	[tilespmem:s10+$0xB0] =	vst v3  }
0xcc: {  	v3 =	vld [tilespmem:$0xA4C0];
	_ =	sdelay $0x1  }
0xcd: {  	v4 =	vld [tilespmem:$0xA2C0];
	_ =	sdelay $0x2  }
0xce: {  	v3 =	vmul.u32 $0x2710, v3;
	_ =	sdelay $0x1  }
0xcf: {  	v3 =	vadd.s32 v4, v3  }
0xd0: {  	[tilespmem:s10+$0xC0] =	vst v3  }
0xd1: {  	v3 =	vld [tilespmem:$0xA4D0];
	_ =	sdelay $0x1  }
0xd2: {  	v4 =	vld [tilespmem:$0xA2D0];
	_ =	sdelay $0x2  }
0xd3: {  	v3 =	vmul.u32 $0x2710, v3;
	_ =	sdelay $0x1  }
0xd4: {  	v3 =	vadd.s32 v4, v3  }
0xd5: {  	[tilespmem:s10+$0xD0] =	vst v3  }
0xd6: {  	v3 =	vld [tilespmem:$0xA4E0];
	_ =	sdelay $0x1  }
0xd7: {  	v4 =	vld [tilespmem:$0xA2E0];
	_ =	sdelay $0x2  }
0xd8: {  	v3 =	vmul.u32 $0x2710, v3;
	_ =	sdelay $0x1  }
0xd9: {  	v3 =	vadd.s32 v4, v3  }
0xda: {  	[tilespmem:s10+$0xE0] =	vst v3  }
0xdb: {  	v3 =	vld [tilespmem:$0xA4F0];
	_ =	sdelay $0x1  }
0xdc: {  	v4 =	vld [tilespmem:$0xA2F0];
	_ =	sdelay $0x2  }
0xdd: {  	v3 =	vmul.u32 $0x2710, v3;
	_ =	sdelay $0x1  }
0xde: {  	s0 =	simm.s32 $0x80;
	s26 =	simm.s32 $0x40;
	v3 =	vadd.s32 v4, v3  }
.LBB2_4:
0xdf: {  	s5 =	sadd.s32 s26, s12  }
0xe0: {  	[tilespmem:s10+$0xF0] =	vst v3;
	s10 =	sadd.s32 $0x200, s10;
	s7 =	smov.u32 s0;
	s31 =	sadd.s32 $0x40, s0  }
0xe1: {  	[tilespmem:s15], [sflag:$0x9] =	stream.linear.gather [hbm4b:s5+s4], $0x200, $0x38;
	[tilespmem:$0x1FE00] =	vst v63  }
0xe2: {  	p0 =	seq.s32 s0, $0x9C0;
	_ =	swait.ge [sflag:s14], $0x200  }
0xe3: {  	[sflag:s14] =	ssyncset.done $0x0  }
0xe4: {  	s0 =	sadd.s32 s26, s13;
	s26 =	smov.u32 s7;
	[sflag:s14] =	ssyncadd.s32 $0xFFFFFE00  }
0xe5: {  	[tilespmem:s16], [sflag:$0x9] =	stream.linear.gather [hbm4b:s0+s4], $0x200, $0x38;
	[tilespmem:$0x1FE00] =	vst v63  }
0xe6: {  	_ =	swait.ge [sflag:s14], $0x200  }
0xe7: {  	[sflag:s14] =	ssyncset.done $0x0  }
0xe8: {  	[sflag:s14] =	ssyncadd.s32 $0xFFFFFE00  }
0xe9: {  	v3 =	vld [tilespmem:$0xA300];
	_ =	sdelay $0x1  }
0xea: {  	v4 =	vld [tilespmem:$0xA100];
	_ =	sdelay $0x2  }
0xeb: {  	v3 =	vmul.u32 $0x2710, v3;
	_ =	sdelay $0x1  }
0xec: {  	v3 =	vadd.s32 v4, v3  }
0xed: {  	[tilespmem:s10+$0xFFFFFF00] =	vst v3  }
0xee: {  	v3 =	vld [tilespmem:$0xA310];
	_ =	sdelay $0x1  }
0xef: {  	v4 =	vld [tilespmem:$0xA110];
	_ =	sdelay $0x2  }
0xf0: {  	v3 =	vmul.u32 $0x2710, v3;
	_ =	sdelay $0x1  }
0xf1: {  	v3 =	vadd.s32 v4, v3  }
0xf2: {  	[tilespmem:s10+$0xFFFFFF10] =	vst v3  }
0xf3: {  	v3 =	vld [tilespmem:$0xA320];
	_ =	sdelay $0x1  }
0xf4: {  	v4 =	vld [tilespmem:$0xA120];
	_ =	sdelay $0x2  }
0xf5: {  	v3 =	vmul.u32 $0x2710, v3;
	_ =	sdelay $0x1  }
0xf6: {  	v3 =	vadd.s32 v4, v3  }
0xf7: {  	[tilespmem:s10+$0xFFFFFF20] =	vst v3  }
0xf8: {  	v3 =	vld [tilespmem:$0xA330];
	_ =	sdelay $0x1  }
0xf9: {  	v4 =	vld [tilespmem:$0xA130];
	_ =	sdelay $0x2  }
0xfa: {  	v3 =	vmul.u32 $0x2710, v3;
	_ =	sdelay $0x1  }
0xfb: {  	v3 =	vadd.s32 v4, v3  }
0xfc: {  	[tilespmem:s10+$0xFFFFFF30] =	vst v3  }
0xfd: {  	v3 =	vld [tilespmem:$0xA340];
	_ =	sdelay $0x1  }
0xfe: {  	v4 =	vld [tilespmem:$0xA140];
	_ =	sdelay $0x2  }
0xff: {  	v3 =	vmul.u32 $0x2710, v3;
	_ =	sdelay $0x1  }
0x100: {  	v3 =	vadd.s32 v4, v3  }
0x101: {  	[tilespmem:s10+$0xFFFFFF40] =	vst v3  }
0x102: {  	v3 =	vld [tilespmem:$0xA350];
	_ =	sdelay $0x1  }
0x103: {  	v4 =	vld [tilespmem:$0xA150];
	_ =	sdelay $0x2  }
0x104: {  	v3 =	vmul.u32 $0x2710, v3;
	_ =	sdelay $0x1  }
0x105: {  	v3 =	vadd.s32 v4, v3  }
0x106: {  	[tilespmem:s10+$0xFFFFFF50] =	vst v3  }
0x107: {  	v3 =	vld [tilespmem:$0xA360];
	_ =	sdelay $0x1  }
0x108: {  	v4 =	vld [tilespmem:$0xA160];
	_ =	sdelay $0x2  }
0x109: {  	v3 =	vmul.u32 $0x2710, v3;
	_ =	sdelay $0x1  }
0x10a: {  	v3 =	vadd.s32 v4, v3  }
0x10b: {  	[tilespmem:s10+$0xFFFFFF60] =	vst v3  }
0x10c: {  	v3 =	vld [tilespmem:$0xA370];
	_ =	sdelay $0x1  }
0x10d: {  	v4 =	vld [tilespmem:$0xA170];
	_ =	sdelay $0x2  }
0x10e: {  	v3 =	vmul.u32 $0x2710, v3;
	_ =	sdelay $0x1  }
0x10f: {  	v3 =	vadd.s32 v4, v3  }
0x110: {  	[tilespmem:s10+$0xFFFFFF70] =	vst v3  }
0x111: {  	v3 =	vld [tilespmem:$0xA380];
	_ =	sdelay $0x1  }
0x112: {  	v4 =	vld [tilespmem:$0xA180];
	_ =	sdelay $0x2  }
0x113: {  	v3 =	vmul.u32 $0x2710, v3;
	_ =	sdelay $0x1  }
0x114: {  	v3 =	vadd.s32 v4, v3  }
0x115: {  	[tilespmem:s10+$0xFFFFFF80] =	vst v3  }
0x116: {  	v3 =	vld [tilespmem:$0xA390];
	_ =	sdelay $0x1  }
0x117: {  	v4 =	vld [tilespmem:$0xA190];
	_ =	sdelay $0x2  }
0x118: {  	v3 =	vmul.u32 $0x2710, v3;
	_ =	sdelay $0x1  }
0x119: {  	v3 =	vadd.s32 v4, v3  }
0x11a: {  	[tilespmem:s10+$0xFFFFFF90] =	vst v3  }
0x11b: {  	v3 =	vld [tilespmem:$0xA3A0];
	_ =	sdelay $0x1  }
0x11c: {  	v4 =	vld [tilespmem:$0xA1A0];
	_ =	sdelay $0x2  }
0x11d: {  	v3 =	vmul.u32 $0x2710, v3;
	_ =	sdelay $0x1  }
0x11e: {  	v3 =	vadd.s32 v4, v3  }
0x11f: {  	[tilespmem:s10+$0xFFFFFFA0] =	vst v3  }
0x120: {  	v3 =	vld [tilespmem:$0xA3B0];
	_ =	sdelay $0x1  }
0x121: {  	v4 =	vld [tilespmem:$0xA1B0];
	_ =	sdelay $0x2  }
0x122: {  	v3 =	vmul.u32 $0x2710, v3;
	_ =	sdelay $0x1  }
0x123: {  	v3 =	vadd.s32 v4, v3  }
0x124: {  	[tilespmem:s10+$0xFFFFFFB0] =	vst v3  }
0x125: {  	v3 =	vld [tilespmem:$0xA3C0];
	_ =	sdelay $0x1  }
0x126: {  	v4 =	vld [tilespmem:$0xA1C0];
	_ =	sdelay $0x2  }
0x127: {  	v3 =	vmul.u32 $0x2710, v3;
	_ =	sdelay $0x1  }
0x128: {  	v3 =	vadd.s32 v4, v3  }
0x129: {  	[tilespmem:s10+$0xFFFFFFC0] =	vst v3  }
0x12a: {  	v3 =	vld [tilespmem:$0xA3D0];
	_ =	sdelay $0x1  }
0x12b: {  	v4 =	vld [tilespmem:$0xA1D0];
	_ =	sdelay $0x2  }
0x12c: {  	v3 =	vmul.u32 $0x2710, v3;
	_ =	sdelay $0x1  }
0x12d: {  	v3 =	vadd.s32 v4, v3  }
0x12e: {  	[tilespmem:s10+$0xFFFFFFD0] =	vst v3  }
0x12f: {  	v3 =	vld [tilespmem:$0xA3E0];
	_ =	sdelay $0x1  }
0x130: {  	v4 =	vld [tilespmem:$0xA1E0];
	_ =	sdelay $0x2  }
0x131: {  	v3 =	vmul.u32 $0x2710, v3;
	_ =	sdelay $0x1  }
0x132: {  	v3 =	vadd.s32 v4, v3  }
0x133: {  	[tilespmem:s10+$0xFFFFFFE0] =	vst v3  }
0x134: {  	v3 =	vld [tilespmem:$0xA3F0];
	_ =	sdelay $0x1  }
0x135: {  	v4 =	vld [tilespmem:$0xA1F0];
	_ =	sdelay $0x2  }
0x136: {  	v3 =	vmul.u32 $0x2710, v3;
	_ =	sdelay $0x1  }
0x137: {  	v3 =	vadd.s32 v4, v3  }
0x138: {  	[tilespmem:s10+$0xFFFFFFF0] =	vst v3  }
0x139: {  	v3 =	vld [tilespmem:$0xA400]  }
0x13a: {  	v4 =	vld [tilespmem:$0xA200];
	_ =	sdelay $0x3  }
0x13b: {  	v3 =	vmul.u32 $0x2710, v3;
	_ =	sdelay $0x1  }
0x13c: {  	v3 =	vadd.s32 v4, v3  }
0x13d: {  	[tilespmem:s10+$0x0] =	vst v3  }
0x13e: {  	v3 =	vld [tilespmem:$0xA410]  }
0x13f: {  	v4 =	vld [tilespmem:$0xA210];
	_ =	sdelay $0x3  }
0x140: {  	v3 =	vmul.u32 $0x2710, v3;
	_ =	sdelay $0x1  }
0x141: {  	v3 =	vadd.s32 v4, v3  }
0x142: {  	[tilespmem:s10+$0x10] =	vst v3  }
0x143: {  	v3 =	vld [tilespmem:$0xA420]  }
0x144: {  	v4 =	vld [tilespmem:$0xA220];
	_ =	sdelay $0x3  }
0x145: {  	v3 =	vmul.u32 $0x2710, v3;
	_ =	sdelay $0x1  }
0x146: {  	v3 =	vadd.s32 v4, v3  }
0x147: {  	[tilespmem:s10+$0x20] =	vst v3  }
0x148: {  	v3 =	vld [tilespmem:$0xA430]  }
0x149: {  	v4 =	vld [tilespmem:$0xA230];
	_ =	sdelay $0x3  }
0x14a: {  	v3 =	vmul.u32 $0x2710, v3;
	_ =	sdelay $0x1  }
0x14b: {  	v3 =	vadd.s32 v4, v3  }
0x14c: {  	[tilespmem:s10+$0x30] =	vst v3  }
0x14d: {  	v3 =	vld [tilespmem:$0xA440]  }
0x14e: {  	v4 =	vld [tilespmem:$0xA240];
	_ =	sdelay $0x3  }
0x14f: {  	v3 =	vmul.u32 $0x2710, v3;
	_ =	sdelay $0x1  }
0x150: {  	v3 =	vadd.s32 v4, v3  }
0x151: {  	[tilespmem:s10+$0x40] =	vst v3  }
0x152: {  	v3 =	vld [tilespmem:$0xA450]  }
0x153: {  	v4 =	vld [tilespmem:$0xA250];
	_ =	sdelay $0x3  }
0x154: {  	v3 =	vmul.u32 $0x2710, v3;
	_ =	sdelay $0x1  }
0x155: {  	v3 =	vadd.s32 v4, v3  }
0x156: {  	[tilespmem:s10+$0x50] =	vst v3  }
0x157: {  	v3 =	vld [tilespmem:$0xA460]  }
0x158: {  	v4 =	vld [tilespmem:$0xA260];
	_ =	sdelay $0x3  }
0x159: {  	v3 =	vmul.u32 $0x2710, v3;
	_ =	sdelay $0x1  }
0x15a: {  	v3 =	vadd.s32 v4, v3  }
0x15b: {  	[tilespmem:s10+$0x60] =	vst v3  }
0x15c: {  	v3 =	vld [tilespmem:$0xA470]  }
0x15d: {  	v4 =	vld [tilespmem:$0xA270];
	_ =	sdelay $0x3  }
0x15e: {  	v3 =	vmul.u32 $0x2710, v3;
	_ =	sdelay $0x1  }
0x15f: {  	v3 =	vadd.s32 v4, v3  }
0x160: {  	[tilespmem:s10+$0x70] =	vst v3  }
0x161: {  	v3 =	vld [tilespmem:$0xA480]  }
0x162: {  	v4 =	vld [tilespmem:$0xA280];
	_ =	sdelay $0x3  }
0x163: {  	v3 =	vmul.u32 $0x2710, v3;
	_ =	sdelay $0x1  }
0x164: {  	v3 =	vadd.s32 v4, v3  }
0x165: {  	[tilespmem:s10+$0x80] =	vst v3  }
0x166: {  	v3 =	vld [tilespmem:$0xA490]  }
0x167: {  	v4 =	vld [tilespmem:$0xA290];
	_ =	sdelay $0x3  }
0x168: {  	v3 =	vmul.u32 $0x2710, v3;
	_ =	sdelay $0x1  }
0x169: {  	v3 =	vadd.s32 v4, v3  }
0x16a: {  	[tilespmem:s10+$0x90] =	vst v3  }
0x16b: {  	v3 =	vld [tilespmem:$0xA4A0]  }
0x16c: {  	v4 =	vld [tilespmem:$0xA2A0];
	_ =	sdelay $0x3  }
0x16d: {  	v3 =	vmul.u32 $0x2710, v3;
	_ =	sdelay $0x1  }
0x16e: {  	v3 =	vadd.s32 v4, v3  }
0x16f: {  	[tilespmem:s10+$0xA0] =	vst v3  }
0x170: {  	v3 =	vld [tilespmem:$0xA4B0]  }
0x171: {  	v4 =	vld [tilespmem:$0xA2B0];
	_ =	sdelay $0x3  }
0x172: {  	v3 =	vmul.u32 $0x2710, v3;
	_ =	sdelay $0x1  }
0x173: {  	v3 =	vadd.s32 v4, v3  }
0x174: {  	[tilespmem:s10+$0xB0] =	vst v3  }
0x175: {  	v3 =	vld [tilespmem:$0xA4C0]  }
0x176: {  	v4 =	vld [tilespmem:$0xA2C0];
	_ =	sdelay $0x3  }
0x177: {  	v3 =	vmul.u32 $0x2710, v3;
	_ =	sdelay $0x1  }
0x178: {  	v3 =	vadd.s32 v4, v3  }
0x179: {  	[tilespmem:s10+$0xC0] =	vst v3  }
0x17a: {  	v3 =	vld [tilespmem:$0xA4D0]  }
0x17b: {  	v4 =	vld [tilespmem:$0xA2D0];
	_ =	sdelay $0x3  }
0x17c: {  	v3 =	vmul.u32 $0x2710, v3;
	_ =	sdelay $0x1  }
0x17d: {  	v3 =	vadd.s32 v4, v3  }
0x17e: {  	[tilespmem:s10+$0xD0] =	vst v3  }
0x17f: {  	v3 =	vld [tilespmem:$0xA4E0]  }
0x180: {  	v4 =	vld [tilespmem:$0xA2E0];
	_ =	sdelay $0x3  }
0x181: {  	v3 =	vmul.u32 $0x2710, v3;
	_ =	sdelay $0x1  }
0x182: {  	v3 =	vadd.s32 v4, v3  }
0x183: {  	[tilespmem:s10+$0xE0] =	vst v3  }
0x184: {  	v3 =	vld [tilespmem:$0xA4F0]  }
0x185: {  	v4 =	vld [tilespmem:$0xA2F0];
	_ =	sdelay $0x1  }
.Ltmp3:
0x186: {  	(pc) =	sbr.rel @!p0 .LBB2_4-.Ltmp3, $3  }
0x187: {  	_ = 	snop  }
0x188: {  	v3 =	vmul.u32 $0x2710, v3;
	_ =	sdelay $0x1  }
0x189: {  	s0 =	smov.u32 s31;
	v3 =	vadd.s32 v4, v3  }
0x18a: {  	s0 =	sadd.s32 s26, s12;
	[tilespmem:s10+$0xF0] =	vst v3  }
0x18b: {  	[tilespmem:s15], [sflag:$0x9] =	stream.linear.gather [hbm4b:s0+s4], $0x200, $0x38;
	[tilespmem:$0x1FE00] =	vst v63  }
0x18c: {  	_ =	swait.ge [sflag:s14], $0x200  }
0x18d: {  	[sflag:s14] =	ssyncset.done $0x0  }
0x18e: {  	s26 =	sadd.s32 s26, s13;
	[sflag:s14] =	ssyncadd.s32 $0xFFFFFE00  }
0x18f: {  	[tilespmem:s16], [sflag:$0x9] =	stream.linear.gather [hbm4b:s26+s4], $0x200, $0x38;
	[tilespmem:$0x1FE00] =	vst v63  }
0x190: {  	_ =	swait.ge [sflag:s14], $0x200  }
0x191: {  	[sflag:s14] =	ssyncset.done $0x0  }
0x192: {  	[sflag:s14] =	ssyncadd.s32 $0xFFFFFE00  }
0x193: {  	v3 =	vld [tilespmem:$0xA300];
	_ =	sdelay $0x1  }
0x194: {  	v4 =	vld [tilespmem:$0xA100];
	_ =	sdelay $0x2  }
0x195: {  	v3 =	vmul.u32 $0x2710, v3;
	_ =	sdelay $0x1  }
0x196: {  	s31 =	sadd.s32 $0x200, s10;
	v3 =	vadd.s32 v4, v3  }
0x197: {  	[tilespmem:s31+$0xFFFFFF00] =	vst v3  }
0x198: {  	v3 =	vld [tilespmem:$0xA310];
	_ =	sdelay $0x1  }
0x199: {  	v33 =	vld [tilespmem:$0xA110];
	_ =	sdelay $0x2  }
0x19a: {  	v3 =	vmul.u32 $0x2710, v3;
	_ =	sdelay $0x1  }
0x19b: {  	v3 =	vadd.s32 v33, v3  }
0x19c: {  	[tilespmem:s31+$0xFFFFFF10] =	vst v3  }
0x19d: {  	v3 =	vld [tilespmem:$0xA320];
	_ =	sdelay $0x1  }
0x19e: {  	v34 =	vld [tilespmem:$0xA120];
	_ =	sdelay $0x2  }
0x19f: {  	v3 =	vmul.u32 $0x2710, v3;
	_ =	sdelay $0x1  }
0x1a0: {  	v3 =	vadd.s32 v34, v3  }
0x1a1: {  	[tilespmem:s31+$0xFFFFFF20] =	vst v3  }
0x1a2: {  	v3 =	vld [tilespmem:$0xA330];
	_ =	sdelay $0x1  }
0x1a3: {  	v35 =	vld [tilespmem:$0xA130];
	_ =	sdelay $0x2  }
0x1a4: {  	v3 =	vmul.u32 $0x2710, v3;
	_ =	sdelay $0x1  }
0x1a5: {  	v3 =	vadd.s32 v35, v3  }
0x1a6: {  	[tilespmem:s31+$0xFFFFFF30] =	vst v3  }
0x1a7: {  	v3 =	vld [tilespmem:$0xA340];
	_ =	sdelay $0x1  }
0x1a8: {  	v36 =	vld [tilespmem:$0xA140];
	_ =	sdelay $0x2  }
0x1a9: {  	v3 =	vmul.u32 $0x2710, v3;
	_ =	sdelay $0x1  }
0x1aa: {  	v3 =	vadd.s32 v36, v3  }
0x1ab: {  	[tilespmem:s31+$0xFFFFFF40] =	vst v3  }
0x1ac: {  	v3 =	vld [tilespmem:$0xA350];
	_ =	sdelay $0x1  }
0x1ad: {  	v37 =	vld [tilespmem:$0xA150];
	_ =	sdelay $0x2  }
0x1ae: {  	v3 =	vmul.u32 $0x2710, v3;
	_ =	sdelay $0x1  }
0x1af: {  	v3 =	vadd.s32 v37, v3  }
0x1b0: {  	[tilespmem:s31+$0xFFFFFF50] =	vst v3  }
0x1b1: {  	v3 =	vld [tilespmem:$0xA360];
	_ =	sdelay $0x1  }
0x1b2: {  	v38 =	vld [tilespmem:$0xA160];
	_ =	sdelay $0x2  }
0x1b3: {  	v3 =	vmul.u32 $0x2710, v3;
	_ =	sdelay $0x1  }
0x1b4: {  	v3 =	vadd.s32 v38, v3  }
0x1b5: {  	[tilespmem:s31+$0xFFFFFF60] =	vst v3  }
0x1b6: {  	v3 =	vld [tilespmem:$0xA370];
	_ =	sdelay $0x1  }
0x1b7: {  	v39 =	vld [tilespmem:$0xA170];
	_ =	sdelay $0x2  }
0x1b8: {  	v3 =	vmul.u32 $0x2710, v3;
	_ =	sdelay $0x1  }
0x1b9: {  	v3 =	vadd.s32 v39, v3  }
0x1ba: {  	[tilespmem:s31+$0xFFFFFF70] =	vst v3  }
0x1bb: {  	v3 =	vld [tilespmem:$0xA380];
	_ =	sdelay $0x1  }
0x1bc: {  	v40 =	vld [tilespmem:$0xA180];
	_ =	sdelay $0x2  }
0x1bd: {  	v3 =	vmul.u32 $0x2710, v3;
	_ =	sdelay $0x1  }
0x1be: {  	v3 =	vadd.s32 v40, v3  }
0x1bf: {  	[tilespmem:s31+$0xFFFFFF80] =	vst v3  }
0x1c0: {  	v3 =	vld [tilespmem:$0xA390];
	_ =	sdelay $0x1  }
0x1c1: {  	v41 =	vld [tilespmem:$0xA190];
	_ =	sdelay $0x2  }
0x1c2: {  	v3 =	vmul.u32 $0x2710, v3;
	_ =	sdelay $0x1  }
0x1c3: {  	v3 =	vadd.s32 v41, v3  }
0x1c4: {  	[tilespmem:s31+$0xFFFFFF90] =	vst v3  }
0x1c5: {  	v3 =	vld [tilespmem:$0xA3A0];
	_ =	sdelay $0x1  }
0x1c6: {  	v42 =	vld [tilespmem:$0xA1A0];
	_ =	sdelay $0x2  }
0x1c7: {  	v3 =	vmul.u32 $0x2710, v3;
	_ =	sdelay $0x1  }
0x1c8: {  	v3 =	vadd.s32 v42, v3  }
0x1c9: {  	[tilespmem:s31+$0xFFFFFFA0] =	vst v3  }
0x1ca: {  	v3 =	vld [tilespmem:$0xA3B0];
	_ =	sdelay $0x1  }
0x1cb: {  	v43 =	vld [tilespmem:$0xA1B0];
	_ =	sdelay $0x2  }
0x1cc: {  	v3 =	vmul.u32 $0x2710, v3;
	_ =	sdelay $0x1  }
0x1cd: {  	v3 =	vadd.s32 v43, v3  }
0x1ce: {  	[tilespmem:s31+$0xFFFFFFB0] =	vst v3  }
0x1cf: {  	v3 =	vld [tilespmem:$0xA3C0];
	_ =	sdelay $0x1  }
0x1d0: {  	v44 =	vld [tilespmem:$0xA1C0];
	_ =	sdelay $0x2  }
0x1d1: {  	v3 =	vmul.u32 $0x2710, v3;
	_ =	sdelay $0x1  }
0x1d2: {  	v3 =	vadd.s32 v44, v3  }
0x1d3: {  	[tilespmem:s31+$0xFFFFFFC0] =	vst v3  }
0x1d4: {  	v3 =	vld [tilespmem:$0xA3D0];
	_ =	sdelay $0x1  }
0x1d5: {  	v45 =	vld [tilespmem:$0xA1D0];
	_ =	sdelay $0x2  }
0x1d6: {  	v3 =	vmul.u32 $0x2710, v3;
	_ =	sdelay $0x1  }
0x1d7: {  	v3 =	vadd.s32 v45, v3  }
0x1d8: {  	[tilespmem:s31+$0xFFFFFFD0] =	vst v3  }
0x1d9: {  	v3 =	vld [tilespmem:$0xA3E0];
	_ =	sdelay $0x1  }
0x1da: {  	v46 =	vld [tilespmem:$0xA1E0];
	_ =	sdelay $0x2  }
0x1db: {  	v3 =	vmul.u32 $0x2710, v3;
	_ =	sdelay $0x1  }
0x1dc: {  	v3 =	vadd.s32 v46, v3  }
0x1dd: {  	[tilespmem:s31+$0xFFFFFFE0] =	vst v3  }
0x1de: {  	v3 =	vld [tilespmem:$0xA3F0];
	_ =	sdelay $0x1  }
0x1df: {  	v47 =	vld [tilespmem:$0xA1F0];
	_ =	sdelay $0x2  }
0x1e0: {  	v3 =	vmul.u32 $0x2710, v3;
	_ =	sdelay $0x1  }
0x1e1: {  	v3 =	vadd.s32 v47, v3  }
0x1e2: {  	[tilespmem:s31+$0xFFFFFFF0] =	vst v3  }
0x1e3: {  	v3 =	vld [tilespmem:$0xA400];
	_ =	sdelay $0x1  }
0x1e4: {  	v48 =	vld [tilespmem:$0xA200];
	_ =	sdelay $0x2  }
0x1e5: {  	v3 =	vmul.u32 $0x2710, v3;
	_ =	sdelay $0x1  }
0x1e6: {  	v3 =	vadd.s32 v48, v3  }
0x1e7: {  	[tilespmem:s31+$0x0] =	vst v3  }
0x1e8: {  	v3 =	vld [tilespmem:$0xA410];
	_ =	sdelay $0x1  }
0x1e9: {  	v49 =	vld [tilespmem:$0xA210];
	_ =	sdelay $0x2  }
0x1ea: {  	v3 =	vmul.u32 $0x2710, v3;
	_ =	sdelay $0x1  }
0x1eb: {  	v3 =	vadd.s32 v49, v3  }
0x1ec: {  	[tilespmem:s31+$0x10] =	vst v3  }
0x1ed: {  	v3 =	vld [tilespmem:$0xA420];
	_ =	sdelay $0x1  }
0x1ee: {  	v50 =	vld [tilespmem:$0xA220];
	_ =	sdelay $0x2  }
0x1ef: {  	v3 =	vmul.u32 $0x2710, v3;
	_ =	sdelay $0x1  }
0x1f0: {  	v3 =	vadd.s32 v50, v3  }
0x1f1: {  	[tilespmem:s31+$0x20] =	vst v3  }
0x1f2: {  	v3 =	vld [tilespmem:$0xA430];
	_ =	sdelay $0x1  }
0x1f3: {  	v51 =	vld [tilespmem:$0xA230];
	_ =	sdelay $0x2  }
0x1f4: {  	v3 =	vmul.u32 $0x2710, v3;
	_ =	sdelay $0x1  }
0x1f5: {  	v3 =	vadd.s32 v51, v3  }
0x1f6: {  	[tilespmem:s31+$0x30] =	vst v3  }
0x1f7: {  	v3 =	vld [tilespmem:$0xA440];
	_ =	sdelay $0x1  }
0x1f8: {  	v52 =	vld [tilespmem:$0xA240];
	_ =	sdelay $0x2  }
0x1f9: {  	v3 =	vmul.u32 $0x2710, v3;
	_ =	sdelay $0x1  }
0x1fa: {  	v3 =	vadd.s32 v52, v3  }
0x1fb: {  	[tilespmem:s31+$0x40] =	vst v3  }
0x1fc: {  	v3 =	vld [tilespmem:$0xA450];
	_ =	sdelay $0x1  }
0x1fd: {  	v53 =	vld [tilespmem:$0xA250];
	_ =	sdelay $0x2  }
0x1fe: {  	v3 =	vmul.u32 $0x2710, v3;
	_ =	sdelay $0x1  }
0x1ff: {  	v3 =	vadd.s32 v53, v3  }
0x200: {  	[tilespmem:s31+$0x50] =	vst v3  }
0x201: {  	v3 =	vld [tilespmem:$0xA460];
	_ =	sdelay $0x1  }
0x202: {  	v54 =	vld [tilespmem:$0xA260];
	_ =	sdelay $0x2  }
0x203: {  	v3 =	vmul.u32 $0x2710, v3;
	_ =	sdelay $0x1  }
0x204: {  	v3 =	vadd.s32 v54, v3  }
0x205: {  	[tilespmem:s31+$0x60] =	vst v3  }
0x206: {  	v3 =	vld [tilespmem:$0xA470];
	_ =	sdelay $0x1  }
0x207: {  	v55 =	vld [tilespmem:$0xA270];
	_ =	sdelay $0x2  }
0x208: {  	v3 =	vmul.u32 $0x2710, v3;
	_ =	sdelay $0x1  }
0x209: {  	v3 =	vadd.s32 v55, v3  }
0x20a: {  	[tilespmem:s31+$0x70] =	vst v3  }
0x20b: {  	v3 =	vld [tilespmem:$0xA480];
	_ =	sdelay $0x1  }
0x20c: {  	v56 =	vld [tilespmem:$0xA280];
	_ =	sdelay $0x2  }
0x20d: {  	v3 =	vmul.u32 $0x2710, v3;
	_ =	sdelay $0x1  }
0x20e: {  	v3 =	vadd.s32 v56, v3  }
0x20f: {  	[tilespmem:s31+$0x80] =	vst v3  }
0x210: {  	v3 =	vld [tilespmem:$0xA490];
	_ =	sdelay $0x1  }
0x211: {  	v57 =	vld [tilespmem:$0xA290];
	_ =	sdelay $0x2  }
0x212: {  	v3 =	vmul.u32 $0x2710, v3;
	_ =	sdelay $0x1  }
0x213: {  	v3 =	vadd.s32 v57, v3  }
0x214: {  	[tilespmem:s31+$0x90] =	vst v3  }
0x215: {  	v3 =	vld [tilespmem:$0xA4A0];
	_ =	sdelay $0x1  }
0x216: {  	v58 =	vld [tilespmem:$0xA2A0];
	_ =	sdelay $0x2  }
0x217: {  	v3 =	vmul.u32 $0x2710, v3;
	_ =	sdelay $0x1  }
0x218: {  	v3 =	vadd.s32 v58, v3  }
0x219: {  	[tilespmem:s31+$0xA0] =	vst v3  }
0x21a: {  	v3 =	vld [tilespmem:$0xA4B0];
	_ =	sdelay $0x1  }
0x21b: {  	v59 =	vld [tilespmem:$0xA2B0];
	_ =	sdelay $0x2  }
0x21c: {  	v3 =	vmul.u32 $0x2710, v3;
	_ =	sdelay $0x1  }
0x21d: {  	v3 =	vadd.s32 v59, v3  }
0x21e: {  	[tilespmem:s31+$0xB0] =	vst v3  }
0x21f: {  	v3 =	vld [tilespmem:$0xA4C0];
	_ =	sdelay $0x1  }
0x220: {  	v60 =	vld [tilespmem:$0xA2C0];
	_ =	sdelay $0x2  }
0x221: {  	v3 =	vmul.u32 $0x2710, v3;
	_ =	sdelay $0x1  }
0x222: {  	v3 =	vadd.s32 v60, v3  }
0x223: {  	[tilespmem:s31+$0xC0] =	vst v3  }
0x224: {  	v3 =	vld [tilespmem:$0xA4D0];
	_ =	sdelay $0x1  }
0x225: {  	v61 =	vld [tilespmem:$0xA2D0];
	_ =	sdelay $0x2  }
0x226: {  	v3 =	vmul.u32 $0x2710, v3;
	_ =	sdelay $0x1  }
0x227: {  	v3 =	vadd.s32 v61, v3  }
0x228: {  	[tilespmem:s31+$0xD0] =	vst v3  }
0x229: {  	v3 =	vld [tilespmem:$0xA4E0];
	_ =	sdelay $0x1  }
0x22a: {  	v62 =	vld [tilespmem:$0xA2E0];
	_ =	sdelay $0x2  }
0x22b: {  	v3 =	vmul.u32 $0x2710, v3;
	_ =	sdelay $0x1  }
0x22c: {  	v3 =	vadd.s32 v62, v3  }
0x22d: {  	[tilespmem:s31+$0xE0] =	vst v3  }
0x22e: {  	v3 =	vld [tilespmem:$0xA4F0];
	_ =	sdelay $0x1  }
0x22f: {  	v63 =	vld [tilespmem:$0xA2F0];
	_ =	sdelay $0x1  }
.Ltmp4:
0x230: {  	_ = 	snop;
	(pc) =	sbr.rel .LBB2_6-.Ltmp4, $3  }
0x231: {  	v3 =	vmul.u32 $0x2710, v3;
	_ =	sdelay $0x1  }
0x232: {  	v3 =	vadd.s32 v63, v3  }
0x233: {  	s26 =	simm.s32 $0x0;
	[tilespmem:s31+$0xF0] =	vst v3  }
.LBB2_13:
0x234: {  	[tilespmem:s24], [sflag:$0x2] =	stream.indirect.gather [hbm4b:s2+s18], $0x10, s5, s18, $0xb8;
	[tilespmem:$0x1FE00] =	vst v63  }
0x235: {  	_ =	swait.ge [sflag:s25], $0x800  }
0x236: {  	[sflag:s25] =	ssyncset.done $0x0  }
0x237: {  	[sflag:s25] =	ssyncadd.s32 $0xFFFFF800  }
0x238: {  	_ =	swait.ge [sflag:s30], $0x800  }
0x239: {  	[sflag:s30] =	ssyncset.done $0x0  }
0x23a: {  	[sflag:s30] =	ssyncadd.s32 $0xFFFFF800  }
0x23b: {  	_ =	swait.ge [sflag:s22], $0x800  }
0x23c: {  	[sflag:s22] =	ssyncset.done $0x0  }
0x23d: {  	[sflag:s22] =	ssyncadd.s32 $0xFFFFF800  }
0x23e: {  	_ =	swait.ge [sflag:s23], $0x800  }
0x23f: {  	[sflag:s23] =	ssyncset.done $0x0  }
0x240: {  	[sflag:s23] =	ssyncadd.s32 $0xFFFFF800  }
.LBB2_19:
0x241: {  	s0 =	smul.u32 $0x139000, s26  }
0x242: {  	s5 =	rddreg [dreg:$0x5]  }
0x243: {  	[bflag:$0x0] =	sbarrier.arrive $0xFFFF;
	s0 =	sadd.s32 s5, s0  }
0x244: {  	s26 =	sadd.s32 $0x1, s26;
	s10 =	rddreg [dreg:$0x7];
	s0 =	sshrl.u32 s0, $0x3  }
0x245: {  	p0 =	sne.s32 s26, $0x5;
	s0 =	sadd.s32 s10, s0  }
0x246: {  	[hbm:s0], [sflag:s17] =	dma.local [spmem:s31], $0x2720  }
.Ltmp5:
0x247: {  	_ =	swait.ge [sflag:s14], $0x2720;
	(pc) =	sbr.rel @!p0 .LBB2_20-.Ltmp5, $3  }
0x248: {  	[sflag:s14] =	ssyncset.done $0x0  }
0x249: {  	[sflag:s14] =	ssyncadd.s32 $0xFFFFD8E0  }
0x24a: {  	[bflag:$0x0] =	sbarrier.arrive $0xFFFF;
	_ =	sdelay $0x1  }
.LBB2_6:
0x24b: {  	s0 =	sor.u32 $0x4, s26  }
0x24c: {  	p0 =	seq.s32 s0, $0x4  }
.Ltmp6:
0x24d: {  	_ = 	snop;
	(pc) =	sbr.rel @p0 .LBB2_10-.Ltmp6, $1  }
0x24e: {  	_ =	sdelay $0x3  }
0x24f: {  	s5 =	simm.s32 $0x0  }
0x250: {  	s0 =	sshra.s32 s5, $0x2;
	s5 =	sadd.s32 $0x40, s5  }
.LBB2_8:
0x251: {  	p0 =	sne.s32 s5, $0x13FC0;
	v3 =	vld [tilespmem:s0+$0x0];
	_ =	sdelay $0x1  }
.Ltmp7:
0x252: {  	(pc) =	sbr.rel @p0 .LBB2_8-.Ltmp7, $3  }
0x253: {  	_ =	sdelay $0x1  }
0x254: {  	v3 =	vadd.s32 $0x2710, v3  }
0x255: {  	[tilespmem:s0+$0x0] =	vst v3;
	s0 =	sshra.s32 s5, $0x2;
	s5 =	sadd.s32 $0x40, s5  }
0x256: {  	v3 =	vld [tilespmem:s0+$0x0];
	_ =	sdelay $0x4  }
0x257: {  	v3 =	vadd.s32 $0x2710, v3  }
0x258: {  	[tilespmem:s0+$0x0] =	vst v3  }
.LBB2_10:
0x259: {  	s31 =	sshrl.u32 s8, $0x3;
	p0 =	seq.s32 s26, $0x4  }
0x25a: {  	[spmem:s31], [sflag:s17] =	dma.local [hbm:s11], $0x2720  }
.Ltmp8:
0x25b: {  	_ =	swait.ge [sflag:s14], $0x2720;
	(pc) =	sbr.rel @!p0 .LBB2_11-.Ltmp8, $4  }
0x25c: {  	[sflag:s14] =	ssyncset.done $0x0  }
0x25d: {  	[sflag:s14] =	ssyncadd.s32 $0xFFFFD8E0  }
0x25e: {  	[bflag:$0x0] =	sbarrier.arrive $0xFFFF  }
0x25f: {  	s0 =	simm.s32 $0x0  }
0x260: {  	s10 =	smov.u32 s11  }
0x261: {  	s11 =	smov.u32 s8;
	s0 =	simm.s32 $0x40;
	s5 =	simm.s32 $0x0  }
.LBB2_15:
0x262: {  	p0 =	sne.s32 s0, $0x1FC0;
	[tilespmem:s5+$0xA500] =	vst v2;
	s5 =	smov.u32 s0;
	s0 =	sadd.s32 $0x40, s0  }
.Ltmp9:
0x263: {  	(pc) =	sbr.rel @p0 .LBB2_15-.Ltmp9, $2  }
0x264: {  	_ =	sdelay $0x2  }
0x265: {  	s5 =	sshra.s32 s5, $0x2  }
0x266: {  	[tilespmem:s5+$0xA500] =	vst v2;
	s0 =	sadd.s32 $0x0, s9  }
0x267: {  	[spmem:s3] =	stream.indirect.scatter.add.f32 [tilespmem:s19], [sflag:$0x5], $0x10, s0, s18, $0xb8;
	[tilespmem:$0x1FE00] =	vst v63  }
0x268: {  	s7 =	sadd.s32 $0x80, s0  }
0x269: {  	[spmem:s3] =	stream.indirect.scatter.add.f32 [tilespmem:s19], [sflag:$0x6], $0x10, s7, s18, $0xb8;
	[tilespmem:$0x1FE00] =	vst v63  }
0x26a: {  	s8 =	sadd.s32 $0x100, s0  }
0x26b: {  	[spmem:s3] =	stream.indirect.scatter.add.f32 [tilespmem:s19], [sflag:$0x7], $0x10, s8, s18, $0xb8;
	[tilespmem:$0x1FE00] =	vst v63  }
0x26c: {  	s0 =	sadd.s32 $0x180, s0  }
0x26d: {  	[spmem:s3] =	stream.indirect.scatter.add.f32 [tilespmem:s19], [sflag:$0x8], $0x10, s0, s18, $0xb8;
	[tilespmem:$0x1FE00] =	vst v63  }
0x26e: {  	_ =	swait.ge [sflag:s20], $0x800  }
0x26f: {  	[sflag:s20] =	ssyncset.done $0x0  }
0x270: {  	[sflag:s20] =	ssyncadd.s32 $0xFFFFF800  }
0x271: {  	_ =	swait.ge [sflag:s21], $0x800  }
0x272: {  	[sflag:s21] =	ssyncset.done $0x0  }
0x273: {  	[sflag:s21] =	ssyncadd.s32 $0xFFFFF800  }
0x274: {  	_ =	swait.ge [sflag:s22], $0x800  }
0x275: {  	[sflag:s22] =	ssyncset.done $0x0  }
0x276: {  	[sflag:s22] =	ssyncadd.s32 $0xFFFFF800  }
0x277: {  	_ =	swait.ge [sflag:s23], $0x800  }
0x278: {  	s5 =	simm.s32 $0x200;
	s0 =	simm.s32 $0x1000;
	[sflag:s23] =	ssyncset.done $0x0  }
.LBB2_17:
0x279: {  	s5 =	sadd.s32 s5, s9  }
0x27a: {  	[sflag:s23] =	ssyncadd.s32 $0xFFFFF800;
	s7 =	smov.u32 s0;
	s8 =	sadd.s32 $0x800, s0  }
0x27b: {  	[spmem:s3] =	stream.indirect.scatter.add.f32 [tilespmem:s19], [sflag:$0x5], $0x10, s5, s18, $0xb8;
	[tilespmem:$0x1FE00] =	vst v63  }
0x27c: {  	p0 =	sne.s32 s0, $0x9800;
	s0 =	sadd.s32 $0x80, s5  }
0x27d: {  	[spmem:s3] =	stream.indirect.scatter.add.f32 [tilespmem:s19], [sflag:$0x6], $0x10, s0, s18, $0xb8;
	[tilespmem:$0x1FE00] =	vst v63  }
0x27e: {  	s0 =	sadd.s32 $0x100, s5  }
0x27f: {  	[spmem:s3] =	stream.indirect.scatter.add.f32 [tilespmem:s19], [sflag:$0x7], $0x10, s0, s18, $0xb8;
	[tilespmem:$0x1FE00] =	vst v63  }
0x280: {  	s0 =	sadd.s32 $0x180, s5  }
0x281: {  	[spmem:s3] =	stream.indirect.scatter.add.f32 [tilespmem:s19], [sflag:$0x8], $0x10, s0, s18, $0xb8;
	[tilespmem:$0x1FE00] =	vst v63  }
0x282: {  	_ =	swait.ge [sflag:s20], $0x800  }
0x283: {  	[sflag:s20] =	ssyncset.done $0x0  }
0x284: {  	[sflag:s20] =	ssyncadd.s32 $0xFFFFF800  }
0x285: {  	_ =	swait.ge [sflag:s21], $0x800  }
0x286: {  	[sflag:s21] =	ssyncset.done $0x0  }
0x287: {  	[sflag:s21] =	ssyncadd.s32 $0xFFFFF800  }
.Ltmp10:
0x288: {  	_ =	swait.ge [sflag:s22], $0x800;
	(pc) =	sbr.rel @p0 .LBB2_17-.Ltmp10, $4  }
0x289: {  	[sflag:s22] =	ssyncset.done $0x0  }
0x28a: {  	[sflag:s22] =	ssyncadd.s32 $0xFFFFF800  }
0x28b: {  	_ =	swait.ge [sflag:s23], $0x800  }
0x28c: {  	s5 =	sshra.s32 s7, $0x2;
	s0 =	smov.u32 s8;
	[sflag:s23] =	ssyncset.done $0x0  }
0x28d: {  	s0 =	sadd.s32 s5, s9;
	[sflag:s23] =	ssyncadd.s32 $0xFFFFF800  }
0x28e: {  	[spmem:s3] =	stream.indirect.scatter.add.f32 [tilespmem:s19], [sflag:$0x5], $0x10, s0, s18, $0xb8;
	[tilespmem:$0x1FE00] =	vst v63  }
0x28f: {  	s5 =	sadd.s32 $0x80, s0  }
0x290: {  	[spmem:s3] =	stream.indirect.scatter.add.f32 [tilespmem:s19], [sflag:$0x6], $0x10, s5, s18, $0xb8;
	[tilespmem:$0x1FE00] =	vst v63  }
0x291: {  	s8 =	sadd.s32 $0x100, s0  }
0x292: {  	[spmem:s3] =	stream.indirect.scatter.add.f32 [tilespmem:s19], [sflag:$0x7], $0x10, s8, s18, $0xb8;
	[tilespmem:$0x1FE00] =	vst v63  }
0x293: {  	s0 =	sadd.s32 $0x180, s0  }
0x294: {  	[spmem:s3] =	stream.indirect.scatter.add.f32 [tilespmem:s19], [sflag:$0x8], $0x10, s0, s18, $0xb8;
	[tilespmem:$0x1FE00] =	vst v63  }
0x295: {  	_ =	swait.ge [sflag:s20], $0x800  }
0x296: {  	[sflag:s20] =	ssyncset.done $0x0  }
0x297: {  	[sflag:s20] =	ssyncadd.s32 $0xFFFFF800  }
0x298: {  	_ =	swait.ge [sflag:s21], $0x800  }
0x299: {  	[sflag:s21] =	ssyncset.done $0x0  }
0x29a: {  	[sflag:s21] =	ssyncadd.s32 $0xFFFFF800  }
0x29b: {  	_ =	swait.ge [sflag:s22], $0x800  }
.Ltmp11:
0x29c: {  	[sflag:s22] =	ssyncset.done $0x0;
	(pc) =	sbr.rel .LBB2_19-.Ltmp11, $4  }
0x29d: {  	[sflag:s22] =	ssyncadd.s32 $0xFFFFF800  }
0x29e: {  	_ =	swait.ge [sflag:s23], $0x800  }
0x29f: {  	[sflag:s23] =	ssyncset.done $0x0  }
0x2a0: {  	s8 =	smov.u32 s11;
	s11 =	smov.u32 s10;
	[sflag:s23] =	ssyncadd.s32 $0xFFFFF800  }
.LBB2_11:
0x2a1: {  	[tilespmem:s19], [sflag:$0x1] =	stream.indirect.gather [hbm4b:s2+s18], $0x10, s0, s18, $0xb8;
	[tilespmem:$0x1FE00] =	vst v63  }
0x2a2: {  	_ = 	snop  }
0x2a3: {  	[tilespmem:s24], [sflag:$0x2] =	stream.indirect.gather [hbm4b:s2+s18], $0x10, s18, s18, $0xb8;
	[tilespmem:$0x1FE00] =	vst v63  }
0x2a4: {  	_ =	swait.ge [sflag:s25], $0x800  }
0x2a5: {  	[sflag:s25] =	ssyncset.done $0x0  }
0x2a6: {  	s5 =	simm.s32 $0x5100;
	[sflag:s25] =	ssyncadd.s32 $0xFFFFF800  }
0x2a7: {  	[spmem:s3] =	stream.indirect.scatter.add.f32 [tilespmem:s19], [sflag:$0x5], $0x10, s5, s18, $0xb8;
	[tilespmem:$0x1FE00] =	vst v63  }
0x2a8: {  	s7 =	simm.s32 $0x100  }
0x2a9: {  	[tilespmem:s29], [sflag:$0x3] =	stream.indirect.gather [hbm4b:s2+s18], $0x10, s7, s18, $0xb8;
	[tilespmem:$0x1FE00] =	vst v63  }
0x2aa: {  	_ =	swait.ge [sflag:s30], $0x800  }
0x2ab: {  	[sflag:s30] =	ssyncset.done $0x0  }
0x2ac: {  	s10 =	simm.s32 $0x5180;
	[sflag:s30] =	ssyncadd.s32 $0xFFFFF800  }
0x2ad: {  	[spmem:s3] =	stream.indirect.scatter.add.f32 [tilespmem:s24], [sflag:$0x6], $0x10, s10, s18, $0xb8;
	[tilespmem:$0x1FE00] =	vst v63  }
0x2ae: {  	s5 =	simm.s32 $0x180  }
0x2af: {  	[tilespmem:s1], [sflag:$0x4] =	stream.indirect.gather [hbm4b:s2+s18], $0x10, s5, s18, $0xb8;
	[tilespmem:$0x1FE00] =	vst v63  }
0x2b0: {  	_ =	swait.ge [sflag:s6], $0x800  }
0x2b1: {  	[sflag:s6] =	ssyncset.done $0x0  }
0x2b2: {  	s7 =	simm.s32 $0x5200;
	[sflag:s6] =	ssyncadd.s32 $0xFFFFF800  }
0x2b3: {  	[spmem:s3] =	stream.indirect.scatter.add.f32 [tilespmem:s29], [sflag:$0x7], $0x10, s7, s18, $0xb8;
	[tilespmem:$0x1FE00] =	vst v63  }
0x2b4: {  	_ =	swait.ge [sflag:s20], $0x800  }
0x2b5: {  	[sflag:s20] =	ssyncset.done $0x0  }
0x2b6: {  	s10 =	simm.s32 $0x200;
	[sflag:s20] =	ssyncadd.s32 $0xFFFFF800  }
0x2b7: {  	[tilespmem:s19], [sflag:$0x1] =	stream.indirect.gather [hbm4b:s2+s18], $0x10, s10, s18, $0xb8;
	[tilespmem:$0x1FE00] =	vst v63  }
0x2b8: {  	_ =	swait.ge [sflag:s28], $0x800  }
0x2b9: {  	[sflag:s28] =	ssyncset.done $0x0  }
0x2ba: {  	s5 =	simm.s32 $0x5280;
	[sflag:s28] =	ssyncadd.s32 $0xFFFFF800  }
0x2bb: {  	[spmem:s3] =	stream.indirect.scatter.add.f32 [tilespmem:s1], [sflag:$0x8], $0x10, s5, s18, $0xb8;
	[tilespmem:$0x1FE00] =	vst v63  }
0x2bc: {  	_ =	swait.ge [sflag:s21], $0x800  }
0x2bd: {  	[sflag:s21] =	ssyncset.done $0x0  }
0x2be: {  	s7 =	simm.s32 $0x280;
	[sflag:s21] =	ssyncadd.s32 $0xFFFFF800  }
0x2bf: {  	[tilespmem:s24], [sflag:$0x2] =	stream.indirect.gather [hbm4b:s2+s18], $0x10, s7, s18, $0xb8;
	[tilespmem:$0x1FE00] =	vst v63  }
0x2c0: {  	_ =	swait.ge [sflag:s25], $0x800  }
0x2c1: {  	[sflag:s25] =	ssyncset.done $0x0  }
0x2c2: {  	s10 =	simm.s32 $0x5300;
	[sflag:s25] =	ssyncadd.s32 $0xFFFFF800  }
0x2c3: {  	[spmem:s3] =	stream.indirect.scatter.add.f32 [tilespmem:s19], [sflag:$0x5], $0x10, s10, s18, $0xb8;
	[tilespmem:$0x1FE00] =	vst v63  }
0x2c4: {  	_ =	swait.ge [sflag:s22], $0x800  }
0x2c5: {  	[sflag:s22] =	ssyncset.done $0x0  }
0x2c6: {  	s5 =	simm.s32 $0x300;
	[sflag:s22] =	ssyncadd.s32 $0xFFFFF800  }
0x2c7: {  	[tilespmem:s29], [sflag:$0x3] =	stream.indirect.gather [hbm4b:s2+s18], $0x10, s5, s18, $0xb8;
	[tilespmem:$0x1FE00] =	vst v63  }
0x2c8: {  	_ =	swait.ge [sflag:s30], $0x800  }
0x2c9: {  	[sflag:s30] =	ssyncset.done $0x0  }
0x2ca: {  	s7 =	simm.s32 $0x5380;
	[sflag:s30] =	ssyncadd.s32 $0xFFFFF800  }
0x2cb: {  	[spmem:s3] =	stream.indirect.scatter.add.f32 [tilespmem:s24], [sflag:$0x6], $0x10, s7, s18, $0xb8;
	[tilespmem:$0x1FE00] =	vst v63  }
0x2cc: {  	_ =	swait.ge [sflag:s23], $0x800  }
0x2cd: {  	[sflag:s23] =	ssyncset.done $0x0  }
0x2ce: {  	s10 =	simm.s32 $0x380;
	[sflag:s23] =	ssyncadd.s32 $0xFFFFF800  }
0x2cf: {  	[tilespmem:s1], [sflag:$0x4] =	stream.indirect.gather [hbm4b:s2+s18], $0x10, s10, s18, $0xb8;
	[tilespmem:$0x1FE00] =	vst v63  }
0x2d0: {  	_ =	swait.ge [sflag:s6], $0x800  }
0x2d1: {  	[sflag:s6] =	ssyncset.done $0x0  }
0x2d2: {  	s5 =	simm.s32 $0x5400;
	[sflag:s6] =	ssyncadd.s32 $0xFFFFF800  }
0x2d3: {  	[spmem:s3] =	stream.indirect.scatter.add.f32 [tilespmem:s29], [sflag:$0x7], $0x10, s5, s18, $0xb8;
	[tilespmem:$0x1FE00] =	vst v63  }
0x2d4: {  	_ =	swait.ge [sflag:s20], $0x800  }
0x2d5: {  	[sflag:s20] =	ssyncset.done $0x0  }
0x2d6: {  	s7 =	simm.s32 $0x400;
	[sflag:s20] =	ssyncadd.s32 $0xFFFFF800  }
0x2d7: {  	[tilespmem:s19], [sflag:$0x1] =	stream.indirect.gather [hbm4b:s2+s18], $0x10, s7, s18, $0xb8;
	[tilespmem:$0x1FE00] =	vst v63  }
0x2d8: {  	_ =	swait.ge [sflag:s28], $0x800  }
0x2d9: {  	[sflag:s28] =	ssyncset.done $0x0  }
0x2da: {  	s10 =	simm.s32 $0x5480;
	[sflag:s28] =	ssyncadd.s32 $0xFFFFF800  }
0x2db: {  	[spmem:s3] =	stream.indirect.scatter.add.f32 [tilespmem:s1], [sflag:$0x8], $0x10, s10, s18, $0xb8;
	[tilespmem:$0x1FE00] =	vst v63  }
0x2dc: {  	_ =	swait.ge [sflag:s21], $0x800  }
0x2dd: {  	[sflag:s21] =	ssyncset.done $0x0  }
0x2de: {  	s0 =	simm.s32 $0x800;
	s5 =	simm.s32 $0x480;
	[sflag:s21] =	ssyncadd.s32 $0xFFFFF800  }
.LBB2_12:
0x2df: {  	[tilespmem:s24], [sflag:$0x2] =	stream.indirect.gather [hbm4b:s2+s18], $0x10, s5, s18, $0xb8;
	[tilespmem:$0x1FE00] =	vst v63  }
0x2e0: {  	s5 =	smov.u32 s0  }
0x2e1: {  	p0 =	sne.s32 s0, $0x13000;
	s0 =	sadd.s32 $0x800, s0;
	_ =	swait.ge [sflag:s25], $0x800  }
0x2e2: {  	s5 =	sshra.s32 s5, $0x2;
	[sflag:s25] =	ssyncset.done $0x0  }
0x2e3: {  	s7 =	sadd.s32 $0x5300, s5;
	[sflag:s25] =	ssyncadd.s32 $0xFFFFF800  }
0x2e4: {  	[spmem:s3] =	stream.indirect.scatter.add.f32 [tilespmem:s19], [sflag:$0x5], $0x10, s7, s18, $0xb8;
	[tilespmem:$0x1FE00] =	vst v63  }
0x2e5: {  	_ =	swait.ge [sflag:s22], $0x800  }
0x2e6: {  	[sflag:s22] =	ssyncset.done $0x0  }
0x2e7: {  	s7 =	sadd.s32 $0x300, s5;
	[sflag:s22] =	ssyncadd.s32 $0xFFFFF800  }
0x2e8: {  	[tilespmem:s29], [sflag:$0x3] =	stream.indirect.gather [hbm4b:s2+s18], $0x10, s7, s18, $0xb8;
	[tilespmem:$0x1FE00] =	vst v63  }
0x2e9: {  	_ =	swait.ge [sflag:s30], $0x800  }
0x2ea: {  	[sflag:s30] =	ssyncset.done $0x0  }
0x2eb: {  	s7 =	sadd.s32 $0x5380, s5;
	[sflag:s30] =	ssyncadd.s32 $0xFFFFF800  }
0x2ec: {  	[spmem:s3] =	stream.indirect.scatter.add.f32 [tilespmem:s24], [sflag:$0x6], $0x10, s7, s18, $0xb8;
	[tilespmem:$0x1FE00] =	vst v63  }
0x2ed: {  	_ =	swait.ge [sflag:s23], $0x800  }
0x2ee: {  	[sflag:s23] =	ssyncset.done $0x0  }
0x2ef: {  	s7 =	sadd.s32 $0x380, s5;
	[sflag:s23] =	ssyncadd.s32 $0xFFFFF800  }
0x2f0: {  	[tilespmem:s1], [sflag:$0x4] =	stream.indirect.gather [hbm4b:s2+s18], $0x10, s7, s18, $0xb8;
	[tilespmem:$0x1FE00] =	vst v63  }
0x2f1: {  	_ =	swait.ge [sflag:s6], $0x800  }
0x2f2: {  	[sflag:s6] =	ssyncset.done $0x0  }
0x2f3: {  	s7 =	sadd.s32 $0x5400, s5;
	[sflag:s6] =	ssyncadd.s32 $0xFFFFF800  }
0x2f4: {  	[spmem:s3] =	stream.indirect.scatter.add.f32 [tilespmem:s29], [sflag:$0x7], $0x10, s7, s18, $0xb8;
	[tilespmem:$0x1FE00] =	vst v63  }
0x2f5: {  	_ =	swait.ge [sflag:s20], $0x800  }
0x2f6: {  	[sflag:s20] =	ssyncset.done $0x0  }
0x2f7: {  	s7 =	sadd.s32 $0x400, s5;
	[sflag:s20] =	ssyncadd.s32 $0xFFFFF800  }
0x2f8: {  	[tilespmem:s19], [sflag:$0x1] =	stream.indirect.gather [hbm4b:s2+s18], $0x10, s7, s18, $0xb8;
	[tilespmem:$0x1FE00] =	vst v63  }
0x2f9: {  	_ =	swait.ge [sflag:s28], $0x800  }
0x2fa: {  	[sflag:s28] =	ssyncset.done $0x0  }
.Ltmp12:
0x2fb: {  	s7 =	sadd.s32 $0x5480, s5;
	[sflag:s28] =	ssyncadd.s32 $0xFFFFF800;
	(pc) =	sbr.rel @p0 .LBB2_12-.Ltmp12, $4  }
0x2fc: {  	[spmem:s3] =	stream.indirect.scatter.add.f32 [tilespmem:s1], [sflag:$0x8], $0x10, s7, s18, $0xb8;
	[tilespmem:$0x1FE00] =	vst v63  }
0x2fd: {  	_ =	swait.ge [sflag:s21], $0x800  }
0x2fe: {  	[sflag:s21] =	ssyncset.done $0x0  }
0x2ff: {  	s5 =	sadd.s32 $0x480, s5;
	[sflag:s21] =	ssyncadd.s32 $0xFFFFF800  }
.Ltmp13:
0x300: {  	_ = 	snop;
	(pc) =	sbr.rel .LBB2_13-.Ltmp13, $1  }
0x301: {  	_ =	sdelay $0x3  }
.LBB2_21:
0x302: {  	_ =	sfence.sel $0x180000  }
0x303: {  	[bflag:$0x0] =	sbarrier.arrive $0xFFFF  }
0x304: {  	_ =	strace $0x90000047  }
0x305: {  	s0 =	stileid.u32;
	[bflag:$0x2] =	sbarrier.arrive $0xFFFF  }
0x306: {  	p0 =	sne.s32 s0, $0x0;
	s0 =	rddreg [dreg:$0x3]  }
0x307: {  	s0 =	sadd.s32 @!p0 $0x100000, s0  }
0x308: {  	[sflag:s0] =	ssyncadd.tile.s32 @!p0 $0x1;
	_ =	shalt  }
.Lfunc_end2:
_tile_overlayer_lowered:
.L_overlay_start_2:
0x309: {  	(tag) =	ssettag $0x2  }
0x30a: {  	s0 =	rddreg [dreg:$0x0];
	s2 =	stileid.u32  }
0x30b: {  	s1 =	rddreg [dreg:$0x1];
	p0 =	sne.s32 s2, $0x0  }
0x30c: {  	s3 =	rddreg [dreg:$0x2];
	[bflag:$0x3] =	sbarrier.arrive $0xFFFF;
	s2 =	simm.s32 @!p0 $0x1C09  }
0x30d: {  	[timem:s3], [sflag:s2] =	dma.local @!p0 [hbm:s0], s1  }
0x30e: {  	s0 =	simm.s32 @!p0 $0x9  }
0x30f: {  	_ =	swait.ge @!p0 [sflag:s0], s1  }
0x310: {  	s1 =	ssub.s32 @!p0 $0x0, s1;
	[sflag:s0] =	ssyncset.done @!p0 $0x0  }
0x311: {  	[sflag:s0] =	ssyncadd.s32 @!p0 s1  }
0x312: {  	[bflag:$0x3] =	sbarrier.arrive $0xFFFF  }
0x313: {  	_ =	shalt  }

</sc_bundles>
